<compile_context>
chip_gen: v7x
topology: tpu7x:2x2x1
jax: 0.10.2.dev20260603
libtpu: 0.0.44.dev20260713+nightly
codegen_flags: <defaults>
</compile_context>

<pallas_src>
import functools

import jax
import jax.numpy as jnp
from jax import lax
from jax.experimental import pallas as pl
from jax.experimental.pallas import tpu as pltpu
from jax.experimental.pallas import tpu_sc as plsc

EMOJI_VOCAB = 100
EMOJI_DIM = 50
SPACY_DIM = 300
OUT_DIM = SPACY_DIM + EMOJI_DIM

_TILE = 128
_HEAD = 256
_TAIL_OFF = SPACY_DIM - _HEAD
_BB = 64
_NUM_WORKERS = 32
_CB = 4


def _make_head_copy(b, s):
    per_w = b // _NUM_WORKERS
    n_chunks = per_w // _CB
    mesh = plsc.VectorSubcoreMesh(core_axis_name="c", subcore_axis_name="s")

    @functools.partial(
        pl.kernel,
        mesh=mesh,
        out_type=jax.ShapeDtypeStruct((b, s, OUT_DIM), jnp.float32),
        scratch_types=[
            pltpu.VMEM((_CB, s, _HEAD), jnp.float32),
        ],
    )
    def head_copy(spacy_hbm, out_hbm, buf):
        wid = lax.axis_index("s") * 2 + lax.axis_index("c")
        w_base = wid * per_w

        def body(k, carry):
            b0 = w_base + k * _CB
            pltpu.sync_copy(
                spacy_hbm.at[pl.ds(b0, _CB), :, pl.ds(0, _HEAD)], buf)
            pltpu.sync_copy(
                buf, out_hbm.at[pl.ds(b0, _CB), :, pl.ds(0, _HEAD)])
            return carry

        lax.fori_loop(0, n_chunks, body, 0)

    return head_copy


def _tail_kernel(spacy_ref, ids_ref, table_ref, outa_ref, out_ref):
    del outa_ref
    bb, seq = ids_ref.shape
    out_ref[:, :, :_TAIL_OFF] = spacy_ref[:, :, :_TAIL_OFF]
    table = table_ref[...]
    for i in range(bb):
        vocab_iota = jax.lax.broadcasted_iota(
            jnp.int32, (seq, EMOJI_VOCAB), 1)
        onehot = (ids_ref[i, :][:, None] == vocab_iota).astype(jnp.float32)
        emoji = jax.lax.dot_general(
            onehot, table, (((1,), (0,)), ((), ())),
            preferred_element_type=jnp.float32)
        out_ref[i, :, _TAIL_OFF:_TAIL_OFF + EMOJI_DIM] = emoji


def kernel(spacy_vectors, emoji_ids, emoji_table):
    b, s, d = spacy_vectors.shape
    out_shape = jax.ShapeDtypeStruct((b, s, OUT_DIM), jnp.float32)

    head = _make_head_copy(b, s)(spacy_vectors)

    return pl.pallas_call(
        _tail_kernel,
        grid=(b // _BB,),
        in_specs=[
            pl.BlockSpec((_BB, s, _TILE), lambda i: (i, 0, _HEAD // _TILE)),
            pl.BlockSpec((_BB, s), lambda i: (i, 0)),
            pl.BlockSpec((EMOJI_VOCAB, EMOJI_DIM), lambda i: (0, 0)),
            pl.BlockSpec(memory_space=pl.ANY),
        ],
        out_specs=pl.BlockSpec((_BB, s, _TILE), lambda i: (i, 0, _HEAD // _TILE)),
        out_shape=out_shape,
        input_output_aliases={3: 0},
    )(spacy_vectors, emoji_ids, emoji_table, head)

# --- scband reference (transcript-rebuilt; emitter-appended) ---
"""Pipeline reference for scband-combined-embedding-82489141887689 (READ-ONLY COPY).

The authoritative reference and input builder live on the scoring server;
editing this copy changes nothing except your own understanding.
"""

import jax, jax.numpy as jnp
import numpy as np

EMOJI_VOCAB = 100
EMOJI_DIM = 50
SPACY_DIM = 300
BATCH = 4096
SEQ = 50


def setup_inputs(seed: int = 0) -> dict:
    key = jax.random.key(seed)
    k1, k2, k3 = jax.random.split(key, 3)
    spacy_vectors = jax.random.normal(k1, (BATCH, SEQ, SPACY_DIM), dtype=jnp.float32)
    emoji_ids = jax.random.randint(k2, (BATCH, SEQ), 0, EMOJI_VOCAB)
    # xavier_uniform init for the emoji embedding table, padding row zeroed
    limit = float(np.sqrt(6.0 / (EMOJI_VOCAB + EMOJI_DIM)))
    emoji_table = jax.random.uniform(k3, (EMOJI_VOCAB, EMOJI_DIM), minval=-limit, maxval=limit, dtype=jnp.float32)
    emoji_table = emoji_table.at[0].set(0.0)
    return {"spacy_vectors": spacy_vectors, "emoji_ids": emoji_ids, "emoji_table": emoji_table}


def reference(spacy_vectors, emoji_ids, emoji_table):
    # nn.Embedding lookup -> gather rows of the table
    emoji_vecs = jnp.take(emoji_table, emoji_ids, axis=0)
    # concat frozen spaCy vectors (300d) with trainable emoji embedding (50d)
    return jnp.concatenate([spacy_vectors, emoji_vecs], axis=-1)

if __name__ == "__main__":
    import jax
    _d = setup_inputs()
    print(jax.jit(kernel)(*tuple(_d.values())))

</pallas_src>

<mosaic_0001>
#map = affine_map<(d0, d1) -> (0, 0, 0)>
module attributes {stable_mosaic.version = 14 : i64} {
  func.func @head_copy(%arg0: i32, %arg1: i32, %arg2: memref<4096x50x300xf32, #tpu.memory_space<hbm>>, %arg3: memref<4096x50x350xf32, #tpu.memory_space<hbm>>, %arg4: memref<4x50x256xf32, #tpu.memory_space<vmem>>) attributes {dimension_semantics = [#tpu.dimension_semantics<core_parallel>, #tpu.dimension_semantics<subcore_parallel>], iteration_bounds = array<i64: 2, 16>, scalar_prefetch = 0 : i64, scratch_operands = 1 : i64, tpu.core_type = #tpu.core_type<sc_vector_subcore>, window_params = [{transform_indices = #map}, {transform_indices = #map}]} {
    %mul3A = arith.constant 2 : i32
    %mul3A_0 = arith.muli %arg1, %mul3A : i32
    %add3A = arith.addi %mul3A_0, %arg0 : i32
    %mul3A_1 = arith.constant 128 : i32
    %mul3A_2 = arith.muli %add3A, %mul3A_1 : i32
    %scan3A = arith.constant 0 : i32
    %scan3A_3 = arith.constant 0 : i32
    %scan3A_4 = arith.constant 32 : i32
    %scan3A_5 = arith.addi %scan3A_3, %scan3A_4 : i32
    %scan3A_6 = arith.constant 1 : i32
    scf.for %scan3A_8 = %scan3A_3 to %scan3A_5 step %scan3A_6  : i32 {
      %mul3A_9 = arith.constant 4 : i32
      %mul3A_10 = arith.muli %scan3A_8, %mul3A_9 : i32
      %add3A_11 = arith.addi %mul3A_2, %mul3A_10 : i32
      "tpu.region"() ({
        %run_scoped3A = tpu.sem_alloc : memref<!tpu.dma_semaphore, #tpu.memory_space<semaphore_mem>>
        %dma_start3A = arith.constant 0 : i32
        %dma_start3A_12 = arith.constant 0 : i32
        %dma_start3A_13 = tpu.memref_slice %arg2[%add3A_11, %dma_start3A, %dma_start3A_12] : memref<4096x50x300xf32, #tpu.memory_space<hbm>> -> memref<4x50x256xf32, #tpu.memory_space<hbm>>
        %dma_start3A_14 = arith.constant 0 : i32
        %dma_start3A_15 = arith.constant 0 : i32
        %dma_start3A_16 = tpu.memref_slice %arg2[%add3A_11, %dma_start3A_14, %dma_start3A_15] : memref<4096x50x300xf32, #tpu.memory_space<hbm>> -> memref<4x50x256xf32, #tpu.memory_space<hbm>>
        tpu.enqueue_dma source(%dma_start3A_16 : memref<4x50x256xf32, #tpu.memory_space<hbm>>) target(%arg4 : memref<4x50x256xf32, #tpu.memory_space<vmem>>) target_semaphore(%run_scoped3A : memref<!tpu.dma_semaphore, #tpu.memory_space<semaphore_mem>>)
        %dma_wait3A = arith.constant 0 : i32
        %dma_wait3A_17 = arith.constant 0 : i32
        %dma_wait3A_18 = tpu.memref_slice %arg2[%add3A_11, %dma_wait3A, %dma_wait3A_17] : memref<4096x50x300xf32, #tpu.memory_space<hbm>> -> memref<4x50x256xf32, #tpu.memory_space<hbm>>
        %dma_wait3A_19 = arith.constant 0 : i32
        %dma_wait3A_20 = arith.constant 0 : i32
        %dma_wait3A_21 = tpu.memref_slice %arg2[%add3A_11, %dma_wait3A_19, %dma_wait3A_20] : memref<4096x50x300xf32, #tpu.memory_space<hbm>> -> memref<4x50x256xf32, #tpu.memory_space<hbm>>
        tpu.wait_dma2 semaphore(%run_scoped3A : memref<!tpu.dma_semaphore, #tpu.memory_space<semaphore_mem>>) src(%dma_wait3A_21 : memref<4x50x256xf32, #tpu.memory_space<hbm>>) dst(%arg4 : memref<4x50x256xf32, #tpu.memory_space<vmem>>)
        tpu.yield
      }) : () -> ()
      "tpu.region"() ({
        %run_scoped3A = tpu.sem_alloc : memref<!tpu.dma_semaphore, #tpu.memory_space<semaphore_mem>>
        %dma_start3A = arith.constant 0 : i32
        %dma_start3A_12 = arith.constant 0 : i32
        %dma_start3A_13 = tpu.memref_slice %arg3[%add3A_11, %dma_start3A, %dma_start3A_12] : memref<4096x50x350xf32, #tpu.memory_space<hbm>> -> memref<4x50x256xf32, #tpu.memory_space<hbm>>
        %dma_start3A_14 = arith.constant 0 : i32
        %dma_start3A_15 = arith.constant 0 : i32
        %dma_start3A_16 = tpu.memref_slice %arg3[%add3A_11, %dma_start3A_14, %dma_start3A_15] : memref<4096x50x350xf32, #tpu.memory_space<hbm>> -> memref<4x50x256xf32, #tpu.memory_space<hbm>>
        tpu.enqueue_dma source(%arg4 : memref<4x50x256xf32, #tpu.memory_space<vmem>>) target(%dma_start3A_16 : memref<4x50x256xf32, #tpu.memory_space<hbm>>) target_semaphore(%run_scoped3A : memref<!tpu.dma_semaphore, #tpu.memory_space<semaphore_mem>>)
        %dma_wait3A = arith.constant 0 : i32
        %dma_wait3A_17 = arith.constant 0 : i32
        %dma_wait3A_18 = tpu.memref_slice %arg3[%add3A_11, %dma_wait3A, %dma_wait3A_17] : memref<4096x50x350xf32, #tpu.memory_space<hbm>> -> memref<4x50x256xf32, #tpu.memory_space<hbm>>
        %dma_wait3A_19 = arith.constant 0 : i32
        %dma_wait3A_20 = arith.constant 0 : i32
        %dma_wait3A_21 = tpu.memref_slice %arg3[%add3A_11, %dma_wait3A_19, %dma_wait3A_20] : memref<4096x50x350xf32, #tpu.memory_space<hbm>> -> memref<4x50x256xf32, #tpu.memory_space<hbm>>
        tpu.wait_dma2 semaphore(%run_scoped3A : memref<!tpu.dma_semaphore, #tpu.memory_space<semaphore_mem>>) src(%arg4 : memref<4x50x256xf32, #tpu.memory_space<vmem>>) dst(%dma_wait3A_21 : memref<4x50x256xf32, #tpu.memory_space<hbm>>)
        tpu.yield
      }) : () -> ()
    }
    %scan3A_7 = arith.constant 32 : i32
    return
  }
}

module attributes {stable_mosaic.version = 14 : i64} {
  func.func @_tail_kernel(%arg0: i32, %arg1: memref<64x50x128xf32, #tpu.memory_space<vmem>>, %arg2: memref<64x50xi32, #tpu.memory_space<vmem>>, %arg3: memref<100x50xf32, #tpu.memory_space<vmem>>, %arg4: memref<4096x50x350xf32, #tpu.memory_space<any>>, %arg5: memref<64x50x128xf32, #tpu.memory_space<vmem>>) attributes {dimension_semantics = [#tpu.dimension_semantics<arbitrary>], iteration_bounds = array<i64: 64>, scalar_prefetch = 0 : i64, scratch_operands = 0 : i64, tpu.core_type = #tpu.core_type<tc>, window_params = [{transform_indices = @transform_0, window_bounds = array<i64: 64, 50, 128>}, {transform_indices = @transform_1, window_bounds = array<i64: 64, 50>}, {pipeline_mode = #tpu.pipeline_mode<synchronous>, transform_indices = @transform_2, window_bounds = array<i64: 100, 50>}, {}, {transform_indices = @transform_4, window_bounds = array<i64: 64, 50, 128>}]} {
    %get3A = arith.constant 0 : index
    %get3A_0 = arith.constant 0 : index
    %get3A_1 = arith.constant 0 : index
    %get3A_2 = vector.load %arg1[%get3A, %get3A_0, %get3A_1] : memref<64x50x128xf32, #tpu.memory_space<vmem>>, vector<64x50x44xf32>
    %swap3A = arith.constant 0 : index
    %swap3A_3 = arith.constant 0 : index
    %swap3A_4 = arith.constant 0 : index
    %swap3A_5 = vector.load %arg5[%swap3A, %swap3A_3, %swap3A_4] : memref<64x50x128xf32, #tpu.memory_space<vmem>>, vector<64x50x44xf32>
    tpu.vector_store %arg5[%swap3A, %swap3A_3, %swap3A_4], %get3A_2 {strides = array<i32>} : memref<64x50x128xf32, #tpu.memory_space<vmem>>, vector<64x50x44xf32>,
    %get3A_6 = arith.constant 0 : index
    %get3A_7 = arith.constant 0 : index
    %get3A_8 = vector.load %arg3[%get3A_6, %get3A_7] : memref<100x50xf32, #tpu.memory_space<vmem>>, vector<100x50xf32>
    %iota3A = tpu.iota {dimensions = array<i32: 1>} : vector<50x100xi32>
    %get3A_9 = arith.constant 0 : index
    %get3A_10 = arith.constant 0 : index
    %get3A_11 = vector.load %arg2[%get3A_9, %get3A_10] : memref<64x50xi32, #tpu.memory_space<vmem>>, vector<1x50xi32>
    %get3A_12 = vector.shape_cast %get3A_11 : vector<1x50xi32> to vector<50xi32>
    %broadcast_in_dim3A = vector.shape_cast %get3A_12 : vector<50xi32> to vector<50x1xi32>
    %eq3A = vector.broadcast %broadcast_in_dim3A : vector<50x1xi32> to vector<50x100xi32>
    %eq3A_13 = arith.cmpi eq, %eq3A, %iota3A : vector<50x100xi32>
    %convert_element_type3A = arith.extui %eq3A_13 : vector<50x100xi1> to vector<50x100xi32>
    %convert_element_type3A_14 = arith.sitofp %convert_element_type3A : vector<50x100xi32> to vector<50x100xf32>
    %dot_general3A = arith.constant dense<0.000000e+00> : vector<50x50xf32>
    %dot_general3A_15 = tpu.matmul %convert_element_type3A_14, %get3A_8, %dot_general3A {dimension_numbers = #tpu.dot_dimension_numbers<[1], [0], [0], [1], [0, 0, 1, 1], [], []>, transpose_lhs_hint = false} : vector<50x100xf32>, vector<100x50xf32>, vector<50x50xf32> -> vector<50x50xf32>
    %swap3A_16 = arith.constant 0 : index
    %swap3A_17 = arith.constant 0 : index
    %swap3A_18 = arith.constant 44 : index
    %swap3A_19 = vector.load %arg5[%swap3A_16, %swap3A_17, %swap3A_18] : memref<64x50x128xf32, #tpu.memory_space<vmem>>, vector<1x50x50xf32>
    %swap3A_20 = vector.shape_cast %swap3A_19 : vector<1x50x50xf32> to vector<50x50xf32>
    %swap3A_21 = vector.shape_cast %dot_general3A_15 : vector<50x50xf32> to vector<1x50x50xf32>
    tpu.vector_store %arg5[%swap3A_16, %swap3A_17, %swap3A_18], %swap3A_21 {strides = array<i32>} : memref<64x50x128xf32, #tpu.memory_space<vmem>>, vector<1x50x50xf32>,
    %iota3A_22 = tpu.iota {dimensions = array<i32: 1>} : vector<50x100xi32>
    %get3A_23 = arith.constant 1 : index
    %get3A_24 = arith.constant 0 : index
    %get3A_25 = vector.load %arg2[%get3A_23, %get3A_24] : memref<64x50xi32, #tpu.memory_space<vmem>>, vector<1x50xi32>
    %get3A_26 = vector.shape_cast %get3A_25 : vector<1x50xi32> to vector<50xi32>
    %broadcast_in_dim3A_27 = vector.shape_cast %get3A_26 : vector<50xi32> to vector<50x1xi32>
    %eq3A_28 = vector.broadcast %broadcast_in_dim3A_27 : vector<50x1xi32> to vector<50x100xi32>
    %eq3A_29 = arith.cmpi eq, %eq3A_28, %iota3A_22 : vector<50x100xi32>
    %convert_element_type3A_30 = arith.extui %eq3A_29 : vector<50x100xi1> to vector<50x100xi32>
    %convert_element_type3A_31 = arith.sitofp %convert_element_type3A_30 : vector<50x100xi32> to vector<50x100xf32>
    %dot_general3A_32 = arith.constant dense<0.000000e+00> : vector<50x50xf32>
    %dot_general3A_33 = tpu.matmul %convert_element_type3A_31, %get3A_8, %dot_general3A_32 {dimension_numbers = #tpu.dot_dimension_numbers<[1], [0], [0], [1], [0, 0, 1, 1], [], []>, transpose_lhs_hint = false} : vector<50x100xf32>, vector<100x50xf32>, vector<50x50xf32> -> vector<50x50xf32>
    %swap3A_34 = arith.constant 1 : index
    %swap3A_35 = arith.constant 0 : index
    %swap3A_36 = arith.constant 44 : index
    %swap3A_37 = vector.load %arg5[%swap3A_34, %swap3A_35, %swap3A_36] : memref<64x50x128xf32, #tpu.memory_space<vmem>>, vector<1x50x50xf32>
    %swap3A_38 = vector.shape_cast %swap3A_37 : vector<1x50x50xf32> to vector<50x50xf32>
    %swap3A_39 = vector.shape_cast %dot_general3A_33 : vector<50x50xf32> to vector<1x50x50xf32>
    tpu.vector_store %arg5[%swap3A_34, %swap3A_35, %swap3A_36], %swap3A_39 {strides = array<i32>} : memref<64x50x128xf32, #tpu.memory_space<vmem>>, vector<1x50x50xf32>,
    %iota3A_40 = tpu.iota {dimensions = array<i32: 1>} : vector<50x100xi32>
    %get3A_41 = arith.constant 2 : index
    %get3A_42 = arith.constant 0 : index
    %get3A_43 = vector.load %arg2[%get3A_41, %get3A_42] : memref<64x50xi32, #tpu.memory_space<vmem>>, vector<1x50xi32>
    %get3A_44 = vector.shape_cast %get3A_43 : vector<1x50xi32> to vector<50xi32>
    %broadcast_in_dim3A_45 = vector.shape_cast %get3A_44 : vector<50xi32> to vector<50x1xi32>
    %eq3A_46 = vector.broadcast %broadcast_in_dim3A_45 : vector<50x1xi32> to vector<50x100xi32>
    %eq3A_47 = arith.cmpi eq, %eq3A_46, %iota3A_40 : vector<50x100xi32>
    %convert_element_type3A_48 = arith.extui %eq3A_47 : vector<50x100xi1> to vector<50x100xi32>
    %convert_element_type3A_49 = arith.sitofp %convert_element_type3A_48 : vector<50x100xi32> to vector<50x100xf32>
    %dot_general3A_50 = arith.constant dense<0.000000e+00> : vector<50x50xf32>
    %dot_general3A_51 = tpu.matmul %convert_element_type3A_49, %get3A_8, %dot_general3A_50 {dimension_numbers = #tpu.dot_dimension_numbers<[1], [0], [0], [1], [0, 0, 1, 1], [], []>, transpose_lhs_hint = false} : vector<50x100xf32>, vector<100x50xf32>, vector<50x50xf32> -> vector<50x50xf32>
    %swap3A_52 = arith.constant 2 : index
    %swap3A_53 = arith.constant 0 : index
    %swap3A_54 = arith.constant 44 : index
    %swap3A_55 = vector.load %arg5[%swap3A_52, %swap3A_53, %swap3A_54] : memref<64x50x128xf32, #tpu.memory_space<vmem>>, vector<1x50x50xf32>
    %swap3A_56 = vector.shape_cast %swap3A_55 : vector<1x50x50xf32> to vector<50x50xf32>
    %swap3A_57 = vector.shape_cast %dot_general3A_51 : vector<50x50xf32> to vector<1x50x50xf32>
    tpu.vector_store %arg5[%swap3A_52, %swap3A_53, %swap3A_54], %swap3A_57 {strides = array<i32>} : memref<64x50x128xf32, #tpu.memory_space<vmem>>, vector<1x50x50xf32>,
    %iota3A_58 = tpu.iota {dimensions = array<i32: 1>} : vector<50x100xi32>
    %get3A_59 = arith.constant 3 : index
    %get3A_60 = arith.constant 0 : index
    %get3A_61 = vector.load %arg2[%get3A_59, %get3A_60] : memref<64x50xi32, #tpu.memory_space<vmem>>, vector<1x50xi32>
    %get3A_62 = vector.shape_cast %get3A_61 : vector<1x50xi32> to vector<50xi32>
    %broadcast_in_dim3A_63 = vector.shape_cast %get3A_62 : vector<50xi32> to vector<50x1xi32>
    %eq3A_64 = vector.broadcast %broadcast_in_dim3A_63 : vector<50x1xi32> to vector<50x100xi32>
    %eq3A_65 = arith.cmpi eq, %eq3A_64, %iota3A_58 : vector<50x100xi32>
    %convert_element_type3A_66 = arith.extui %eq3A_65 : vector<50x100xi1> to vector<50x100xi32>
    %convert_element_type3A_67 = arith.sitofp %convert_element_type3A_66 : vector<50x100xi32> to vector<50x100xf32>
    %dot_general3A_68 = arith.constant dense<0.000000e+00> : vector<50x50xf32>
    %dot_general3A_69 = tpu.matmul %convert_element_type3A_67, %get3A_8, %dot_general3A_68 {dimension_numbers = #tpu.dot_dimension_numbers<[1], [0], [0], [1], [0, 0, 1, 1], [], []>, transpose_lhs_hint = false} : vector<50x100xf32>, vector<100x50xf32>, vector<50x50xf32> -> vector<50x50xf32>
    %swap3A_70 = arith.constant 3 : index
    %swap3A_71 = arith.constant 0 : index
    %swap3A_72 = arith.constant 44 : index
    %swap3A_73 = vector.load %arg5[%swap3A_70, %swap3A_71, %swap3A_72] : memref<64x50x128xf32, #tpu.memory_space<vmem>>, vector<1x50x50xf32>
    %swap3A_74 = vector.shape_cast %swap3A_73 : vector<1x50x50xf32> to vector<50x50xf32>
    %swap3A_75 = vector.shape_cast %dot_general3A_69 : vector<50x50xf32> to vector<1x50x50xf32>
    tpu.vector_store %arg5[%swap3A_70, %swap3A_71, %swap3A_72], %swap3A_75 {strides = array<i32>} : memref<64x50x128xf32, #tpu.memory_space<vmem>>, vector<1x50x50xf32>,
    %iota3A_76 = tpu.iota {dimensions = array<i32: 1>} : vector<50x100xi32>
    %get3A_77 = arith.constant 4 : index
    %get3A_78 = arith.constant 0 : index
    %get3A_79 = vector.load %arg2[%get3A_77, %get3A_78] : memref<64x50xi32, #tpu.memory_space<vmem>>, vector<1x50xi32>
    %get3A_80 = vector.shape_cast %get3A_79 : vector<1x50xi32> to vector<50xi32>
    %broadcast_in_dim3A_81 = vector.shape_cast %get3A_80 : vector<50xi32> to vector<50x1xi32>
    %eq3A_82 = vector.broadcast %broadcast_in_dim3A_81 : vector<50x1xi32> to vector<50x100xi32>
    %eq3A_83 = arith.cmpi eq, %eq3A_82, %iota3A_76 : vector<50x100xi32>
    %convert_element_type3A_84 = arith.extui %eq3A_83 : vector<50x100xi1> to vector<50x100xi32>
    %convert_element_type3A_85 = arith.sitofp %convert_element_type3A_84 : vector<50x100xi32> to vector<50x100xf32>
    %dot_general3A_86 = arith.constant dense<0.000000e+00> : vector<50x50xf32>
    %dot_general3A_87 = tpu.matmul %convert_element_type3A_85, %get3A_8, %dot_general3A_86 {dimension_numbers = #tpu.dot_dimension_numbers<[1], [0], [0], [1], [0, 0, 1, 1], [], []>, transpose_lhs_hint = false} : vector<50x100xf32>, vector<100x50xf32>, vector<50x50xf32> -> vector<50x50xf32>
    %swap3A_88 = arith.constant 4 : index
    %swap3A_89 = arith.constant 0 : index
    %swap3A_90 = arith.constant 44 : index
    %swap3A_91 = vector.load %arg5[%swap3A_88, %swap3A_89, %swap3A_90] : memref<64x50x128xf32, #tpu.memory_space<vmem>>, vector<1x50x50xf32>
    %swap3A_92 = vector.shape_cast %swap3A_91 : vector<1x50x50xf32> to vector<50x50xf32>
    %swap3A_93 = vector.shape_cast %dot_general3A_87 : vector<50x50xf32> to vector<1x50x50xf32>
    tpu.vector_store %arg5[%swap3A_88, %swap3A_89, %swap3A_90], %swap3A_93 {strides = array<i32>} : memref<64x50x128xf32, #tpu.memory_space<vmem>>, vector<1x50x50xf32>,
    %iota3A_94 = tpu.iota {dimensions = array<i32: 1>} : vector<50x100xi32>
    %get3A_95 = arith.constant 5 : index
    %get3A_96 = arith.constant 0 : index
    %get3A_97 = vector.load %arg2[%get3A_95, %get3A_96] : memref<64x50xi32, #tpu.memory_space<vmem>>, vector<1x50xi32>
    %get3A_98 = vector.shape_cast %get3A_97 : vector<1x50xi32> to vector<50xi32>
    %broadcast_in_dim3A_99 = vector.shape_cast %get3A_98 : vector<50xi32> to vector<50x1xi32>
    %eq3A_100 = vector.broadcast %broadcast_in_dim3A_99 : vector<50x1xi32> to vector<50x100xi32>
    %eq3A_101 = arith.cmpi eq, %eq3A_100, %iota3A_94 : vector<50x100xi32>
    %convert_element_type3A_102 = arith.extui %eq3A_101 : vector<50x100xi1> to vector<50x100xi32>
    %convert_element_type3A_103 = arith.sitofp %convert_element_type3A_102 : vector<50x100xi32> to vector<50x100xf32>
    %dot_general3A_104 = arith.constant dense<0.000000e+00> : vector<50x50xf32>
    %dot_general3A_105 = tpu.matmul %convert_element_type3A_103, %get3A_8, %dot_general3A_104 {dimension_numbers = #tpu.dot_dimension_numbers<[1], [0], [0], [1], [0, 0, 1, 1], [], []>, transpose_lhs_hint = false} : vector<50x100xf32>, vector<100x50xf32>, vector<50x50xf32> -> vector<50x50xf32>
    %swap3A_106 = arith.constant 5 : index
    %swap3A_107 = arith.constant 0 : index
    %swap3A_108 = arith.constant 44 : index
    %swap3A_109 = vector.load %arg5[%swap3A_106, %swap3A_107, %swap3A_108] : memref<64x50x128xf32, #tpu.memory_space<vmem>>, vector<1x50x50xf32>
    %swap3A_110 = vector.shape_cast %swap3A_109 : vector<1x50x50xf32> to vector<50x50xf32>
    %swap3A_111 = vector.shape_cast %dot_general3A_105 : vector<50x50xf32> to vector<1x50x50xf32>
    tpu.vector_store %arg5[%swap3A_106, %swap3A_107, %swap3A_108], %swap3A_111 {strides = array<i32>} : memref<64x50x128xf32, #tpu.memory_space<vmem>>, vector<1x50x50xf32>,
    %iota3A_112 = tpu.iota {dimensions = array<i32: 1>} : vector<50x100xi32>
    %get3A_113 = arith.constant 6 : index
    %get3A_114 = arith.constant 0 : index
    %get3A_115 = vector.load %arg2[%get3A_113, %get3A_114] : memref<64x50xi32, #tpu.memory_space<vmem>>, vector<1x50xi32>
    %get3A_116 = vector.shape_cast %get3A_115 : vector<1x50xi32> to vector<50xi32>
    %broadcast_in_dim3A_117 = vector.shape_cast %get3A_116 : vector<50xi32> to vector<50x1xi32>
    %eq3A_118 = vector.broadcast %broadcast_in_dim3A_117 : vector<50x1xi32> to vector<50x100xi32>
    %eq3A_119 = arith.cmpi eq, %eq3A_118, %iota3A_112 : vector<50x100xi32>
    %convert_element_type3A_120 = arith.extui %eq3A_119 : vector<50x100xi1> to vector<50x100xi32>
    %convert_element_type3A_121 = arith.sitofp %convert_element_type3A_120 : vector<50x100xi32> to vector<50x100xf32>
    %dot_general3A_122 = arith.constant dense<0.000000e+00> : vector<50x50xf32>
    %dot_general3A_123 = tpu.matmul %convert_element_type3A_121, %get3A_8, %dot_general3A_122 {dimension_numbers = #tpu.dot_dimension_numbers<[1], [0], [0], [1], [0, 0, 1, 1], [], []>, transpose_lhs_hint = false} : vector<50x100xf32>, vector<100x50xf32>, vector<50x50xf32> -> vector<50x50xf32>
    %swap3A_124 = arith.constant 6 : index
    %swap3A_125 = arith.constant 0 : index
    %swap3A_126 = arith.constant 44 : index
    %swap3A_127 = vector.load %arg5[%swap3A_124, %swap3A_125, %swap3A_126] : memref<64x50x128xf32, #tpu.memory_space<vmem>>, vector<1x50x50xf32>
    %swap3A_128 = vector.shape_cast %swap3A_127 : vector<1x50x50xf32> to vector<50x50xf32>
    %swap3A_129 = vector.shape_cast %dot_general3A_123 : vector<50x50xf32> to vector<1x50x50xf32>
    tpu.vector_store %arg5[%swap3A_124, %swap3A_125, %swap3A_126], %swap3A_129 {strides = array<i32>} : memref<64x50x128xf32, #tpu.memory_space<vmem>>, vector<1x50x50xf32>,
    %iota3A_130 = tpu.iota {dimensions = array<i32: 1>} : vector<50x100xi32>
    %get3A_131 = arith.constant 7 : index
    %get3A_132 = arith.constant 0 : index
    %get3A_133 = vector.load %arg2[%get3A_131, %get3A_132] : memref<64x50xi32, #tpu.memory_space<vmem>>, vector<1x50xi32>
    %get3A_134 = vector.shape_cast %get3A_133 : vector<1x50xi32> to vector<50xi32>
    %broadcast_in_dim3A_135 = vector.shape_cast %get3A_134 : vector<50xi32> to vector<50x1xi32>
    %eq3A_136 = vector.broadcast %broadcast_in_dim3A_135 : vector<50x1xi32> to vector<50x100xi32>
    %eq3A_137 = arith.cmpi eq, %eq3A_136, %iota3A_130 : vector<50x100xi32>
    %convert_element_type3A_138 = arith.extui %eq3A_137 : vector<50x100xi1> to vector<50x100xi32>
    %convert_element_type3A_139 = arith.sitofp %convert_element_type3A_138 : vector<50x100xi32> to vector<50x100xf32>
    %dot_general3A_140 = arith.constant dense<0.000000e+00> : vector<50x50xf32>
    %dot_general3A_141 = tpu.matmul %convert_element_type3A_139, %get3A_8, %dot_general3A_140 {dimension_numbers = #tpu.dot_dimension_numbers<[1], [0], [0], [1], [0, 0, 1, 1], [], []>, transpose_lhs_hint = false} : vector<50x100xf32>, vector<100x50xf32>, vector<50x50xf32> -> vector<50x50xf32>
    %swap3A_142 = arith.constant 7 : index
    %swap3A_143 = arith.constant 0 : index
    %swap3A_144 = arith.constant 44 : index
    %swap3A_145 = vector.load %arg5[%swap3A_142, %swap3A_143, %swap3A_144] : memref<64x50x128xf32, #tpu.memory_space<vmem>>, vector<1x50x50xf32>
    %swap3A_146 = vector.shape_cast %swap3A_145 : vector<1x50x50xf32> to vector<50x50xf32>
    %swap3A_147 = vector.shape_cast %dot_general3A_141 : vector<50x50xf32> to vector<1x50x50xf32>
    tpu.vector_store %arg5[%swap3A_142, %swap3A_143, %swap3A_144], %swap3A_147 {strides = array<i32>} : memref<64x50x128xf32, #tpu.memory_space<vmem>>, vector<1x50x50xf32>,
    %iota3A_148 = tpu.iota {dimensions = array<i32: 1>} : vector<50x100xi32>
    %get3A_149 = arith.constant 8 : index
    %get3A_150 = arith.constant 0 : index
    %get3A_151 = vector.load %arg2[%get3A_149, %get3A_150] : memref<64x50xi32, #tpu.memory_space<vmem>>, vector<1x50xi32>
    %get3A_152 = vector.shape_cast %get3A_151 : vector<1x50xi32> to vector<50xi32>
    %broadcast_in_dim3A_153 = vector.shape_cast %get3A_152 : vector<50xi32> to vector<50x1xi32>
    %eq3A_154 = vector.broadcast %broadcast_in_dim3A_153 : vector<50x1xi32> to vector<50x100xi32>
    %eq3A_155 = arith.cmpi eq, %eq3A_154, %iota3A_148 : vector<50x100xi32>
    %convert_element_type3A_156 = arith.extui %eq3A_155 : vector<50x100xi1> to vector<50x100xi32>
    %convert_element_type3A_157 = arith.sitofp %convert_element_type3A_156 : vector<50x100xi32> to vector<50x100xf32>
    %dot_general3A_158 = arith.constant dense<0.000000e+00> : vector<50x50xf32>
    %dot_general3A_159 = tpu.matmul %convert_element_type3A_157, %get3A_8, %dot_general3A_158 {dimension_numbers = #tpu.dot_dimension_numbers<[1], [0], [0], [1], [0, 0, 1, 1], [], []>, transpose_lhs_hint = false} : vector<50x100xf32>, vector<100x50xf32>, vector<50x50xf32> -> vector<50x50xf32>
    %swap3A_160 = arith.constant 8 : index
    %swap3A_161 = arith.constant 0 : index
    %swap3A_162 = arith.constant 44 : index
    %swap3A_163 = vector.load %arg5[%swap3A_160, %swap3A_161, %swap3A_162] : memref<64x50x128xf32, #tpu.memory_space<vmem>>, vector<1x50x50xf32>
    %swap3A_164 = vector.shape_cast %swap3A_163 : vector<1x50x50xf32> to vector<50x50xf32>
    %swap3A_165 = vector.shape_cast %dot_general3A_159 : vector<50x50xf32> to vector<1x50x50xf32>
    tpu.vector_store %arg5[%swap3A_160, %swap3A_161, %swap3A_162], %swap3A_165 {strides = array<i32>} : memref<64x50x128xf32, #tpu.memory_space<vmem>>, vector<1x50x50xf32>,
    %iota3A_166 = tpu.iota {dimensions = array<i32: 1>} : vector<50x100xi32>
    %get3A_167 = arith.constant 9 : index
    %get3A_168 = arith.constant 0 : index
    %get3A_169 = vector.load %arg2[%get3A_167, %get3A_168] : memref<64x50xi32, #tpu.memory_space<vmem>>, vector<1x50xi32>
    %get3A_170 = vector.shape_cast %get3A_169 : vector<1x50xi32> to vector<50xi32>
    %broadcast_in_dim3A_171 = vector.shape_cast %get3A_170 : vector<50xi32> to vector<50x1xi32>
    %eq3A_172 = vector.broadcast %broadcast_in_dim3A_171 : vector<50x1xi32> to vector<50x100xi32>
    %eq3A_173 = arith.cmpi eq, %eq3A_172, %iota3A_166 : vector<50x100xi32>
    %convert_element_type3A_174 = arith.extui %eq3A_173 : vector<50x100xi1> to vector<50x100xi32>
    %convert_element_type3A_175 = arith.sitofp %convert_element_type3A_174 : vector<50x100xi32> to vector<50x100xf32>
    %dot_general3A_176 = arith.constant dense<0.000000e+00> : vector<50x50xf32>
    %dot_general3A_177 = tpu.matmul %convert_element_type3A_175, %get3A_8, %dot_general3A_176 {dimension_numbers = #tpu.dot_dimension_numbers<[1], [0], [0], [1], [0, 0, 1, 1], [], []>, transpose_lhs_hint = false} : vector<50x100xf32>, vector<100x50xf32>, vector<50x50xf32> -> vector<50x50xf32>
    %swap3A_178 = arith.constant 9 : index
    %swap3A_179 = arith.constant 0 : index
    %swap3A_180 = arith.constant 44 : index
    %swap3A_181 = vector.load %arg5[%swap3A_178, %swap3A_179, %swap3A_180] : memref<64x50x128xf32, #tpu.memory_space<vmem>>, vector<1x50x50xf32>
    %swap3A_182 = vector.shape_cast %swap3A_181 : vector<1x50x50xf32> to vector<50x50xf32>
    %swap3A_183 = vector.shape_cast %dot_general3A_177 : vector<50x50xf32> to vector<1x50x50xf32>
    tpu.vector_store %arg5[%swap3A_178, %swap3A_179, %swap3A_180], %swap3A_183 {strides = array<i32>} : memref<64x50x128xf32, #tpu.memory_space<vmem>>, vector<1x50x50xf32>,
    %iota3A_184 = tpu.iota {dimensions = array<i32: 1>} : vector<50x100xi32>
    %get3A_185 = arith.constant 10 : index
    %get3A_186 = arith.constant 0 : index
    %get3A_187 = vector.load %arg2[%get3A_185, %get3A_186] : memref<64x50xi32, #tpu.memory_space<vmem>>, vector<1x50xi32>
    %get3A_188 = vector.shape_cast %get3A_187 : vector<1x50xi32> to vector<50xi32>
    %broadcast_in_dim3A_189 = vector.shape_cast %get3A_188 : vector<50xi32> to vector<50x1xi32>
    %eq3A_190 = vector.broadcast %broadcast_in_dim3A_189 : vector<50x1xi32> to vector<50x100xi32>
    %eq3A_191 = arith.cmpi eq, %eq3A_190, %iota3A_184 : vector<50x100xi32>
    %convert_element_type3A_192 = arith.extui %eq3A_191 : vector<50x100xi1> to vector<50x100xi32>
    %convert_element_type3A_193 = arith.sitofp %convert_element_type3A_192 : vector<50x100xi32> to vector<50x100xf32>
    %dot_general3A_194 = arith.constant dense<0.000000e+00> : vector<50x50xf32>
    %dot_general3A_195 = tpu.matmul %convert_element_type3A_193, %get3A_8, %dot_general3A_194 {dimension_numbers = #tpu.dot_dimension_numbers<[1], [0], [0], [1], [0, 0, 1, 1], [], []>, transpose_lhs_hint = false} : vector<50x100xf32>, vector<100x50xf32>, vector<50x50xf32> -> vector<50x50xf32>
    %swap3A_196 = arith.constant 10 : index
    %swap3A_197 = arith.constant 0 : index
    %swap3A_198 = arith.constant 44 : index
    %swap3A_199 = vector.load %arg5[%swap3A_196, %swap3A_197, %swap3A_198] : memref<64x50x128xf32, #tpu.memory_space<vmem>>, vector<1x50x50xf32>
    %swap3A_200 = vector.shape_cast %swap3A_199 : vector<1x50x50xf32> to vector<50x50xf32>
    %swap3A_201 = vector.shape_cast %dot_general3A_195 : vector<50x50xf32> to vector<1x50x50xf32>
    tpu.vector_store %arg5[%swap3A_196, %swap3A_197, %swap3A_198], %swap3A_201 {strides = array<i32>} : memref<64x50x128xf32, #tpu.memory_space<vmem>>, vector<1x50x50xf32>,
    %iota3A_202 = tpu.iota {dimensions = array<i32: 1>} : vector<50x100xi32>
    %get3A_203 = arith.constant 11 : index
    %get3A_204 = arith.constant 0 : index
    %get3A_205 = vector.load %arg2[%get3A_203, %get3A_204] : memref<64x50xi32, #tpu.memory_space<vmem>>, vector<1x50xi32>
    %get3A_206 = vector.shape_cast %get3A_205 : vector<1x50xi32> to vector<50xi32>
    %broadcast_in_dim3A_207 = vector.shape_cast %get3A_206 : vector<50xi32> to vector<50x1xi32>
    %eq3A_208 = vector.broadcast %broadcast_in_dim3A_207 : vector<50x1xi32> to vector<50x100xi32>
    %eq3A_209 = arith.cmpi eq, %eq3A_208, %iota3A_202 : vector<50x100xi32>
    %convert_element_type3A_210 = arith.extui %eq3A_209 : vector<50x100xi1> to vector<50x100xi32>
    %convert_element_type3A_211 = arith.sitofp %convert_element_type3A_210 : vector<50x100xi32> to vector<50x100xf32>
    %dot_general3A_212 = arith.constant dense<0.000000e+00> : vector<50x50xf32>
    %dot_general3A_213 = tpu.matmul %convert_element_type3A_211, %get3A_8, %dot_general3A_212 {dimension_numbers = #tpu.dot_dimension_numbers<[1], [0], [0], [1], [0, 0, 1, 1], [], []>, transpose_lhs_hint = false} : vector<50x100xf32>, vector<100x50xf32>, vector<50x50xf32> -> vector<50x50xf32>
    %swap3A_214 = arith.constant 11 : index
    %swap3A_215 = arith.constant 0 : index
    %swap3A_216 = arith.constant 44 : index
    %swap3A_217 = vector.load %arg5[%swap3A_214, %swap3A_215, %swap3A_216] : memref<64x50x128xf32, #tpu.memory_space<vmem>>, vector<1x50x50xf32>
    %swap3A_218 = vector.shape_cast %swap3A_217 : vector<1x50x50xf32> to vector<50x50xf32>
    %swap3A_219 = vector.shape_cast %dot_general3A_213 : vector<50x50xf32> to vector<1x50x50xf32>
    tpu.vector_store %arg5[%swap3A_214, %swap3A_215, %swap3A_216], %swap3A_219 {strides = array<i32>} : memref<64x50x128xf32, #tpu.memory_space<vmem>>, vector<1x50x50xf32>,
    %iota3A_220 = tpu.iota {dimensions = array<i32: 1>} : vector<50x100xi32>
    %get3A_221 = arith.constant 12 : index
    %get3A_222 = arith.constant 0 : index
    %get3A_223 = vector.load %arg2[%get3A_221, %get3A_222] : memref<64x50xi32, #tpu.memory_space<vmem>>, vector<1x50xi32>
    %get3A_224 = vector.shape_cast %get3A_223 : vector<1x50xi32> to vector<50xi32>
    %broadcast_in_dim3A_225 = vector.shape_cast %get3A_224 : vector<50xi32> to vector<50x1xi32>
    %eq3A_226 = vector.broadcast %broadcast_in_dim3A_225 : vector<50x1xi32> to vector<50x100xi32>
    %eq3A_227 = arith.cmpi eq, %eq3A_226, %iota3A_220 : vector<50x100xi32>
    %convert_element_type3A_228 = arith.extui %eq3A_227 : vector<50x100xi1> to vector<50x100xi32>
    %convert_element_type3A_229 = arith.sitofp %convert_element_type3A_228 : vector<50x100xi32> to vector<50x100xf32>
    %dot_general3A_230 = arith.constant dense<0.000000e+00> : vector<50x50xf32>
    %dot_general3A_231 = tpu.matmul %convert_element_type3A_229, %get3A_8, %dot_general3A_230 {dimension_numbers = #tpu.dot_dimension_numbers<[1], [0], [0], [1], [0, 0, 1, 1], [], []>, transpose_lhs_hint = false} : vector<50x100xf32>, vector<100x50xf32>, vector<50x50xf32> -> vector<50x50xf32>
    %swap3A_232 = arith.constant 12 : index
    %swap3A_233 = arith.constant 0 : index
    %swap3A_234 = arith.constant 44 : index
    %swap3A_235 = vector.load %arg5[%swap3A_232, %swap3A_233, %swap3A_234] : memref<64x50x128xf32, #tpu.memory_space<vmem>>, vector<1x50x50xf32>
    %swap3A_236 = vector.shape_cast %swap3A_235 : vector<1x50x50xf32> to vector<50x50xf32>
    %swap3A_237 = vector.shape_cast %dot_general3A_231 : vector<50x50xf32> to vector<1x50x50xf32>
    tpu.vector_store %arg5[%swap3A_232, %swap3A_233, %swap3A_234], %swap3A_237 {strides = array<i32>} : memref<64x50x128xf32, #tpu.memory_space<vmem>>, vector<1x50x50xf32>,
    %iota3A_238 = tpu.iota {dimensions = array<i32: 1>} : vector<50x100xi32>
    %get3A_239 = arith.constant 13 : index
    %get3A_240 = arith.constant 0 : index
    %get3A_241 = vector.load %arg2[%get3A_239, %get3A_240] : memref<64x50xi32, #tpu.memory_space<vmem>>, vector<1x50xi32>
    %get3A_242 = vector.shape_cast %get3A_241 : vector<1x50xi32> to vector<50xi32>
    %broadcast_in_dim3A_243 = vector.shape_cast %get3A_242 : vector<50xi32> to vector<50x1xi32>
    %eq3A_244 = vector.broadcast %broadcast_in_dim3A_243 : vector<50x1xi32> to vector<50x100xi32>
    %eq3A_245 = arith.cmpi eq, %eq3A_244, %iota3A_238 : vector<50x100xi32>
    %convert_element_type3A_246 = arith.extui %eq3A_245 : vector<50x100xi1> to vector<50x100xi32>
    %convert_element_type3A_247 = arith.sitofp %convert_element_type3A_246 : vector<50x100xi32> to vector<50x100xf32>
    %dot_general3A_248 = arith.constant dense<0.000000e+00> : vector<50x50xf32>
    %dot_general3A_249 = tpu.matmul %convert_element_type3A_247, %get3A_8, %dot_general3A_248 {dimension_numbers = #tpu.dot_dimension_numbers<[1], [0], [0], [1], [0, 0, 1, 1], [], []>, transpose_lhs_hint = false} : vector<50x100xf32>, vector<100x50xf32>, vector<50x50xf32> -> vector<50x50xf32>
    %swap3A_250 = arith.constant 13 : index
    %swap3A_251 = arith.constant 0 : index
    %swap3A_252 = arith.constant 44 : index
    %swap3A_253 = vector.load %arg5[%swap3A_250, %swap3A_251, %swap3A_252] : memref<64x50x128xf32, #tpu.memory_space<vmem>>, vector<1x50x50xf32>
    %swap3A_254 = vector.shape_cast %swap3A_253 : vector<1x50x50xf32> to vector<50x50xf32>
    %swap3A_255 = vector.shape_cast %dot_general3A_249 : vector<50x50xf32> to vector<1x50x50xf32>
    tpu.vector_store %arg5[%swap3A_250, %swap3A_251, %swap3A_252], %swap3A_255 {strides = array<i32>} : memref<64x50x128xf32, #tpu.memory_space<vmem>>, vector<1x50x50xf32>,
    %iota3A_256 = tpu.iota {dimensions = array<i32: 1>} : vector<50x100xi32>
    %get3A_257 = arith.constant 14 : index
    %get3A_258 = arith.constant 0 : index
    %get3A_259 = vector.load %arg2[%get3A_257, %get3A_258] : memref<64x50xi32, #tpu.memory_space<vmem>>, vector<1x50xi32>
    %get3A_260 = vector.shape_cast %get3A_259 : vector<1x50xi32> to vector<50xi32>
    %broadcast_in_dim3A_261 = vector.shape_cast %get3A_260 : vector<50xi32> to vector<50x1xi32>
    %eq3A_262 = vector.broadcast %broadcast_in_dim3A_261 : vector<50x1xi32> to vector<50x100xi32>
    %eq3A_263 = arith.cmpi eq, %eq3A_262, %iota3A_256 : vector<50x100xi32>
    %convert_element_type3A_264 = arith.extui %eq3A_263 : vector<50x100xi1> to vector<50x100xi32>
    %convert_element_type3A_265 = arith.sitofp %convert_element_type3A_264 : vector<50x100xi32> to vector<50x100xf32>
    %dot_general3A_266 = arith.constant dense<0.000000e+00> : vector<50x50xf32>
    %dot_general3A_267 = tpu.matmul %convert_element_type3A_265, %get3A_8, %dot_general3A_266 {dimension_numbers = #tpu.dot_dimension_numbers<[1], [0], [0], [1], [0, 0, 1, 1], [], []>, transpose_lhs_hint = false} : vector<50x100xf32>, vector<100x50xf32>, vector<50x50xf32> -> vector<50x50xf32>
    %swap3A_268 = arith.constant 14 : index
    %swap3A_269 = arith.constant 0 : index
    %swap3A_270 = arith.constant 44 : index
    %swap3A_271 = vector.load %arg5[%swap3A_268, %swap3A_269, %swap3A_270] : memref<64x50x128xf32, #tpu.memory_space<vmem>>, vector<1x50x50xf32>
    %swap3A_272 = vector.shape_cast %swap3A_271 : vector<1x50x50xf32> to vector<50x50xf32>
    %swap3A_273 = vector.shape_cast %dot_general3A_267 : vector<50x50xf32> to vector<1x50x50xf32>
    tpu.vector_store %arg5[%swap3A_268, %swap3A_269, %swap3A_270], %swap3A_273 {strides = array<i32>} : memref<64x50x128xf32, #tpu.memory_space<vmem>>, vector<1x50x50xf32>,
    %iota3A_274 = tpu.iota {dimensions = array<i32: 1>} : vector<50x100xi32>
    %get3A_275 = arith.constant 15 : index
    %get3A_276 = arith.constant 0 : index
    %get3A_277 = vector.load %arg2[%get3A_275, %get3A_276] : memref<64x50xi32, #tpu.memory_space<vmem>>, vector<1x50xi32>
    %get3A_278 = vector.shape_cast %get3A_277 : vector<1x50xi32> to vector<50xi32>
    %broadcast_in_dim3A_279 = vector.shape_cast %get3A_278 : vector<50xi32> to vector<50x1xi32>
    %eq3A_280 = vector.broadcast %broadcast_in_dim3A_279 : vector<50x1xi32> to vector<50x100xi32>
    %eq3A_281 = arith.cmpi eq, %eq3A_280, %iota3A_274 : vector<50x100xi32>
    %convert_element_type3A_282 = arith.extui %eq3A_281 : vector<50x100xi1> to vector<50x100xi32>
    %convert_element_type3A_283 = arith.sitofp %convert_element_type3A_282 : vector<50x100xi32> to vector<50x100xf32>
    %dot_general3A_284 = arith.constant dense<0.000000e+00> : vector<50x50xf32>
    %dot_general3A_285 = tpu.matmul %convert_element_type3A_283, %get3A_8, %dot_general3A_284 {dimension_numbers = #tpu.dot_dimension_numbers<[1], [0], [0], [1], [0, 0, 1, 1], [], []>, transpose_lhs_hint = false} : vector<50x100xf32>, vector<100x50xf32>, vector<50x50xf32> -> vector<50x50xf32>
    %swap3A_286 = arith.constant 15 : index
    %swap3A_287 = arith.constant 0 : index
    %swap3A_288 = arith.constant 44 : index
    %swap3A_289 = vector.load %arg5[%swap3A_286, %swap3A_287, %swap3A_288] : memref<64x50x128xf32, #tpu.memory_space<vmem>>, vector<1x50x50xf32>
    %swap3A_290 = vector.shape_cast %swap3A_289 : vector<1x50x50xf32> to vector<50x50xf32>
    %swap3A_291 = vector.shape_cast %dot_general3A_285 : vector<50x50xf32> to vector<1x50x50xf32>
    tpu.vector_store %arg5[%swap3A_286, %swap3A_287, %swap3A_288], %swap3A_291 {strides = array<i32>} : memref<64x50x128xf32, #tpu.memory_space<vmem>>, vector<1x50x50xf32>,
    %iota3A_292 = tpu.iota {dimensions = array<i32: 1>} : vector<50x100xi32>
    %get3A_293 = arith.constant 16 : index
    %get3A_294 = arith.constant 0 : index
    %get3A_295 = vector.load %arg2[%get3A_293, %get3A_294] : memref<64x50xi32, #tpu.memory_space<vmem>>, vector<1x50xi32>
    %get3A_296 = vector.shape_cast %get3A_295 : vector<1x50xi32> to vector<50xi32>
    %broadcast_in_dim3A_297 = vector.shape_cast %get3A_296 : vector<50xi32> to vector<50x1xi32>
    %eq3A_298 = vector.broadcast %broadcast_in_dim3A_297 : vector<50x1xi32> to vector<50x100xi32>
    %eq3A_299 = arith.cmpi eq, %eq3A_298, %iota3A_292 : vector<50x100xi32>
    %convert_element_type3A_300 = arith.extui %eq3A_299 : vector<50x100xi1> to vector<50x100xi32>
    %convert_element_type3A_301 = arith.sitofp %convert_element_type3A_300 : vector<50x100xi32> to vector<50x100xf32>
    %dot_general3A_302 = arith.constant dense<0.000000e+00> : vector<50x50xf32>
    %dot_general3A_303 = tpu.matmul %convert_element_type3A_301, %get3A_8, %dot_general3A_302 {dimension_numbers = #tpu.dot_dimension_numbers<[1], [0], [0], [1], [0, 0, 1, 1], [], []>, transpose_lhs_hint = false} : vector<50x100xf32>, vector<100x50xf32>, vector<50x50xf32> -> vector<50x50xf32>
    %swap3A_304 = arith.constant 16 : index
    %swap3A_305 = arith.constant 0 : index
    %swap3A_306 = arith.constant 44 : index
    %swap3A_307 = vector.load %arg5[%swap3A_304, %swap3A_305, %swap3A_306] : memref<64x50x128xf32, #tpu.memory_space<vmem>>, vector<1x50x50xf32>
    %swap3A_308 = vector.shape_cast %swap3A_307 : vector<1x50x50xf32> to vector<50x50xf32>
    %swap3A_309 = vector.shape_cast %dot_general3A_303 : vector<50x50xf32> to vector<1x50x50xf32>
    tpu.vector_store %arg5[%swap3A_304, %swap3A_305, %swap3A_306], %swap3A_309 {strides = array<i32>} : memref<64x50x128xf32, #tpu.memory_space<vmem>>, vector<1x50x50xf32>,
    %iota3A_310 = tpu.iota {dimensions = array<i32: 1>} : vector<50x100xi32>
    %get3A_311 = arith.constant 17 : index
    %get3A_312 = arith.constant 0 : index
    %get3A_313 = vector.load %arg2[%get3A_311, %get3A_312] : memref<64x50xi32, #tpu.memory_space<vmem>>, vector<1x50xi32>
    %get3A_314 = vector.shape_cast %get3A_313 : vector<1x50xi32> to vector<50xi32>
    %broadcast_in_dim3A_315 = vector.shape_cast %get3A_314 : vector<50xi32> to vector<50x1xi32>
    %eq3A_316 = vector.broadcast %broadcast_in_dim3A_315 : vector<50x1xi32> to vector<50x100xi32>
    %eq3A_317 = arith.cmpi eq, %eq3A_316, %iota3A_310 : vector<50x100xi32>
    %convert_element_type3A_318 = arith.extui %eq3A_317 : vector<50x100xi1> to vector<50x100xi32>
    %convert_element_type3A_319 = arith.sitofp %convert_element_type3A_318 : vector<50x100xi32> to vector<50x100xf32>
    %dot_general3A_320 = arith.constant dense<0.000000e+00> : vector<50x50xf32>
    %dot_general3A_321 = tpu.matmul %convert_element_type3A_319, %get3A_8, %dot_general3A_320 {dimension_numbers = #tpu.dot_dimension_numbers<[1], [0], [0], [1], [0, 0, 1, 1], [], []>, transpose_lhs_hint = false} : vector<50x100xf32>, vector<100x50xf32>, vector<50x50xf32> -> vector<50x50xf32>
    %swap3A_322 = arith.constant 17 : index
    %swap3A_323 = arith.constant 0 : index
    %swap3A_324 = arith.constant 44 : index
    %swap3A_325 = vector.load %arg5[%swap3A_322, %swap3A_323, %swap3A_324] : memref<64x50x128xf32, #tpu.memory_space<vmem>>, vector<1x50x50xf32>
    %swap3A_326 = vector.shape_cast %swap3A_325 : vector<1x50x50xf32> to vector<50x50xf32>
    %swap3A_327 = vector.shape_cast %dot_general3A_321 : vector<50x50xf32> to vector<1x50x50xf32>
    tpu.vector_store %arg5[%swap3A_322, %swap3A_323, %swap3A_324], %swap3A_327 {strides = array<i32>} : memref<64x50x128xf32, #tpu.memory_space<vmem>>, vector<1x50x50xf32>,
    %iota3A_328 = tpu.iota {dimensions = array<i32: 1>} : vector<50x100xi32>
    %get3A_329 = arith.constant 18 : index
    %get3A_330 = arith.constant 0 : index
    %get3A_331 = vector.load %arg2[%get3A_329, %get3A_330] : memref<64x50xi32, #tpu.memory_space<vmem>>, vector<1x50xi32>
    %get3A_332 = vector.shape_cast %get3A_331 : vector<1x50xi32> to vector<50xi32>
    %broadcast_in_dim3A_333 = vector.shape_cast %get3A_332 : vector<50xi32> to vector<50x1xi32>
    %eq3A_334 = vector.broadcast %broadcast_in_dim3A_333 : vector<50x1xi32> to vector<50x100xi32>
    %eq3A_335 = arith.cmpi eq, %eq3A_334, %iota3A_328 : vector<50x100xi32>
    %convert_element_type3A_336 = arith.extui %eq3A_335 : vector<50x100xi1> to vector<50x100xi32>
    %convert_element_type3A_337 = arith.sitofp %convert_element_type3A_336 : vector<50x100xi32> to vector<50x100xf32>
    %dot_general3A_338 = arith.constant dense<0.000000e+00> : vector<50x50xf32>
    %dot_general3A_339 = tpu.matmul %convert_element_type3A_337, %get3A_8, %dot_general3A_338 {dimension_numbers = #tpu.dot_dimension_numbers<[1], [0], [0], [1], [0, 0, 1, 1], [], []>, transpose_lhs_hint = false} : vector<50x100xf32>, vector<100x50xf32>, vector<50x50xf32> -> vector<50x50xf32>
    %swap3A_340 = arith.constant 18 : index
    %swap3A_341 = arith.constant 0 : index
    %swap3A_342 = arith.constant 44 : index
    %swap3A_343 = vector.load %arg5[%swap3A_340, %swap3A_341, %swap3A_342] : memref<64x50x128xf32, #tpu.memory_space<vmem>>, vector<1x50x50xf32>
    %swap3A_344 = vector.shape_cast %swap3A_343 : vector<1x50x50xf32> to vector<50x50xf32>
    %swap3A_345 = vector.shape_cast %dot_general3A_339 : vector<50x50xf32> to vector<1x50x50xf32>
    tpu.vector_store %arg5[%swap3A_340, %swap3A_341, %swap3A_342], %swap3A_345 {strides = array<i32>} : memref<64x50x128xf32, #tpu.memory_space<vmem>>, vector<1x50x50xf32>,
    %iota3A_346 = tpu.iota {dimensions = array<i32: 1>} : vector<50x100xi32>
    %get3A_347 = arith.constant 19 : index
    %get3A_348 = arith.constant 0 : index
    %get3A_349 = vector.load %arg2[%get3A_347, %get3A_348] : memref<64x50xi32, #tpu.memory_space<vmem>>, vector<1x50xi32>
    %get3A_350 = vector.shape_cast %get3A_349 : vector<1x50xi32> to vector<50xi32>
    %broadcast_in_dim3A_351 = vector.shape_cast %get3A_350 : vector<50xi32> to vector<50x1xi32>
    %eq3A_352 = vector.broadcast %broadcast_in_dim3A_351 : vector<50x1xi32> to vector<50x100xi32>
    %eq3A_353 = arith.cmpi eq, %eq3A_352, %iota3A_346 : vector<50x100xi32>
    %convert_element_type3A_354 = arith.extui %eq3A_353 : vector<50x100xi1> to vector<50x100xi32>
    %convert_element_type3A_355 = arith.sitofp %convert_element_type3A_354 : vector<50x100xi32> to vector<50x100xf32>
    %dot_general3A_356 = arith.constant dense<0.000000e+00> : vector<50x50xf32>
    %dot_general3A_357 = tpu.matmul %convert_element_type3A_355, %get3A_8, %dot_general3A_356 {dimension_numbers = #tpu.dot_dimension_numbers<[1], [0], [0], [1], [0, 0, 1, 1], [], []>, transpose_lhs_hint = false} : vector<50x100xf32>, vector<100x50xf32>, vector<50x50xf32> -> vector<50x50xf32>
    %swap3A_358 = arith.constant 19 : index
    %swap3A_359 = arith.constant 0 : index
    %swap3A_360 = arith.constant 44 : index
    %swap3A_361 = vector.load %arg5[%swap3A_358, %swap3A_359, %swap3A_360] : memref<64x50x128xf32, #tpu.memory_space<vmem>>, vector<1x50x50xf32>
    %swap3A_362 = vector.shape_cast %swap3A_361 : vector<1x50x50xf32> to vector<50x50xf32>
    %swap3A_363 = vector.shape_cast %dot_general3A_357 : vector<50x50xf32> to vector<1x50x50xf32>
    tpu.vector_store %arg5[%swap3A_358, %swap3A_359, %swap3A_360], %swap3A_363 {strides = array<i32>} : memref<64x50x128xf32, #tpu.memory_space<vmem>>, vector<1x50x50xf32>,
    %iota3A_364 = tpu.iota {dimensions = array<i32: 1>} : vector<50x100xi32>
    %get3A_365 = arith.constant 20 : index
    %get3A_366 = arith.constant 0 : index
    %get3A_367 = vector.load %arg2[%get3A_365, %get3A_366] : memref<64x50xi32, #tpu.memory_space<vmem>>, vector<1x50xi32>
    %get3A_368 = vector.shape_cast %get3A_367 : vector<1x50xi32> to vector<50xi32>
    %broadcast_in_dim3A_369 = vector.shape_cast %get3A_368 : vector<50xi32> to vector<50x1xi32>
    %eq3A_370 = vector.broadcast %broadcast_in_dim3A_369 : vector<50x1xi32> to vector<50x100xi32>
    %eq3A_371 = arith.cmpi eq, %eq3A_370, %iota3A_364 : vector<50x100xi32>
    %convert_element_type3A_372 = arith.extui %eq3A_371 : vector<50x100xi1> to vector<50x100xi32>
    %convert_element_type3A_373 = arith.sitofp %convert_element_type3A_372 : vector<50x100xi32> to vector<50x100xf32>
    %dot_general3A_374 = arith.constant dense<0.000000e+00> : vector<50x50xf32>
    %dot_general3A_375 = tpu.matmul %convert_element_type3A_373, %get3A_8, %dot_general3A_374 {dimension_numbers = #tpu.dot_dimension_numbers<[1], [0], [0], [1], [0, 0, 1, 1], [], []>, transpose_lhs_hint = false} : vector<50x100xf32>, vector<100x50xf32>, vector<50x50xf32> -> vector<50x50xf32>
    %swap3A_376 = arith.constant 20 : index
    %swap3A_377 = arith.constant 0 : index
    %swap3A_378 = arith.constant 44 : index
    %swap3A_379 = vector.load %arg5[%swap3A_376, %swap3A_377, %swap3A_378] : memref<64x50x128xf32, #tpu.memory_space<vmem>>, vector<1x50x50xf32>
    %swap3A_380 = vector.shape_cast %swap3A_379 : vector<1x50x50xf32> to vector<50x50xf32>
    %swap3A_381 = vector.shape_cast %dot_general3A_375 : vector<50x50xf32> to vector<1x50x50xf32>
    tpu.vector_store %arg5[%swap3A_376, %swap3A_377, %swap3A_378], %swap3A_381 {strides = array<i32>} : memref<64x50x128xf32, #tpu.memory_space<vmem>>, vector<1x50x50xf32>,
    %iota3A_382 = tpu.iota {dimensions = array<i32: 1>} : vector<50x100xi32>
    %get3A_383 = arith.constant 21 : index
    %get3A_384 = arith.constant 0 : index
    %get3A_385 = vector.load %arg2[%get3A_383, %get3A_384] : memref<64x50xi32, #tpu.memory_space<vmem>>, vector<1x50xi32>
    %get3A_386 = vector.shape_cast %get3A_385 : vector<1x50xi32> to vector<50xi32>
    %broadcast_in_dim3A_387 = vector.shape_cast %get3A_386 : vector<50xi32> to vector<50x1xi32>
    %eq3A_388 = vector.broadcast %broadcast_in_dim3A_387 : vector<50x1xi32> to vector<50x100xi32>
    %eq3A_389 = arith.cmpi eq, %eq3A_388, %iota3A_382 : vector<50x100xi32>
    %convert_element_type3A_390 = arith.extui %eq3A_389 : vector<50x100xi1> to vector<50x100xi32>
    %convert_element_type3A_391 = arith.sitofp %convert_element_type3A_390 : vector<50x100xi32> to vector<50x100xf32>
    %dot_general3A_392 = arith.constant dense<0.000000e+00> : vector<50x50xf32>
    %dot_general3A_393 = tpu.matmul %convert_element_type3A_391, %get3A_8, %dot_general3A_392 {dimension_numbers = #tpu.dot_dimension_numbers<[1], [0], [0], [1], [0, 0, 1, 1], [], []>, transpose_lhs_hint = false} : vector<50x100xf32>, vector<100x50xf32>, vector<50x50xf32> -> vector<50x50xf32>
    %swap3A_394 = arith.constant 21 : index
    %swap3A_395 = arith.constant 0 : index
    %swap3A_396 = arith.constant 44 : index
    %swap3A_397 = vector.load %arg5[%swap3A_394, %swap3A_395, %swap3A_396] : memref<64x50x128xf32, #tpu.memory_space<vmem>>, vector<1x50x50xf32>
    %swap3A_398 = vector.shape_cast %swap3A_397 : vector<1x50x50xf32> to vector<50x50xf32>
    %swap3A_399 = vector.shape_cast %dot_general3A_393 : vector<50x50xf32> to vector<1x50x50xf32>
    tpu.vector_store %arg5[%swap3A_394, %swap3A_395, %swap3A_396], %swap3A_399 {strides = array<i32>} : memref<64x50x128xf32, #tpu.memory_space<vmem>>, vector<1x50x50xf32>,
    %iota3A_400 = tpu.iota {dimensions = array<i32: 1>} : vector<50x100xi32>
    %get3A_401 = arith.constant 22 : index
    %get3A_402 = arith.constant 0 : index
    %get3A_403 = vector.load %arg2[%get3A_401, %get3A_402] : memref<64x50xi32, #tpu.memory_space<vmem>>, vector<1x50xi32>
    %get3A_404 = vector.shape_cast %get3A_403 : vector<1x50xi32> to vector<50xi32>
    %broadcast_in_dim3A_405 = vector.shape_cast %get3A_404 : vector<50xi32> to vector<50x1xi32>
    %eq3A_406 = vector.broadcast %broadcast_in_dim3A_405 : vector<50x1xi32> to vector<50x100xi32>
    %eq3A_407 = arith.cmpi eq, %eq3A_406, %iota3A_400 : vector<50x100xi32>
    %convert_element_type3A_408 = arith.extui %eq3A_407 : vector<50x100xi1> to vector<50x100xi32>
    %convert_element_type3A_409 = arith.sitofp %convert_element_type3A_408 : vector<50x100xi32> to vector<50x100xf32>
    %dot_general3A_410 = arith.constant dense<0.000000e+00> : vector<50x50xf32>
    %dot_general3A_411 = tpu.matmul %convert_element_type3A_409, %get3A_8, %dot_general3A_410 {dimension_numbers = #tpu.dot_dimension_numbers<[1], [0], [0], [1], [0, 0, 1, 1], [], []>, transpose_lhs_hint = false} : vector<50x100xf32>, vector<100x50xf32>, vector<50x50xf32> -> vector<50x50xf32>
    %swap3A_412 = arith.constant 22 : index
    %swap3A_413 = arith.constant 0 : index
    %swap3A_414 = arith.constant 44 : index
    %swap3A_415 = vector.load %arg5[%swap3A_412, %swap3A_413, %swap3A_414] : memref<64x50x128xf32, #tpu.memory_space<vmem>>, vector<1x50x50xf32>
    %swap3A_416 = vector.shape_cast %swap3A_415 : vector<1x50x50xf32> to vector<50x50xf32>
    %swap3A_417 = vector.shape_cast %dot_general3A_411 : vector<50x50xf32> to vector<1x50x50xf32>
    tpu.vector_store %arg5[%swap3A_412, %swap3A_413, %swap3A_414], %swap3A_417 {strides = array<i32>} : memref<64x50x128xf32, #tpu.memory_space<vmem>>, vector<1x50x50xf32>,
    %iota3A_418 = tpu.iota {dimensions = array<i32: 1>} : vector<50x100xi32>
    %get3A_419 = arith.constant 23 : index
    %get3A_420 = arith.constant 0 : index
    %get3A_421 = vector.load %arg2[%get3A_419, %get3A_420] : memref<64x50xi32, #tpu.memory_space<vmem>>, vector<1x50xi32>
    %get3A_422 = vector.shape_cast %get3A_421 : vector<1x50xi32> to vector<50xi32>
    %broadcast_in_dim3A_423 = vector.shape_cast %get3A_422 : vector<50xi32> to vector<50x1xi32>
    %eq3A_424 = vector.broadcast %broadcast_in_dim3A_423 : vector<50x1xi32> to vector<50x100xi32>
    %eq3A_425 = arith.cmpi eq, %eq3A_424, %iota3A_418 : vector<50x100xi32>
    %convert_element_type3A_426 = arith.extui %eq3A_425 : vector<50x100xi1> to vector<50x100xi32>
    %convert_element_type3A_427 = arith.sitofp %convert_element_type3A_426 : vector<50x100xi32> to vector<50x100xf32>
    %dot_general3A_428 = arith.constant dense<0.000000e+00> : vector<50x50xf32>
    %dot_general3A_429 = tpu.matmul %convert_element_type3A_427, %get3A_8, %dot_general3A_428 {dimension_numbers = #tpu.dot_dimension_numbers<[1], [0], [0], [1], [0, 0, 1, 1], [], []>, transpose_lhs_hint = false} : vector<50x100xf32>, vector<100x50xf32>, vector<50x50xf32> -> vector<50x50xf32>
    %swap3A_430 = arith.constant 23 : index
    %swap3A_431 = arith.constant 0 : index
    %swap3A_432 = arith.constant 44 : index
    %swap3A_433 = vector.load %arg5[%swap3A_430, %swap3A_431, %swap3A_432] : memref<64x50x128xf32, #tpu.memory_space<vmem>>, vector<1x50x50xf32>
    %swap3A_434 = vector.shape_cast %swap3A_433 : vector<1x50x50xf32> to vector<50x50xf32>
    %swap3A_435 = vector.shape_cast %dot_general3A_429 : vector<50x50xf32> to vector<1x50x50xf32>
    tpu.vector_store %arg5[%swap3A_430, %swap3A_431, %swap3A_432], %swap3A_435 {strides = array<i32>} : memref<64x50x128xf32, #tpu.memory_space<vmem>>, vector<1x50x50xf32>,
    %iota3A_436 = tpu.iota {dimensions = array<i32: 1>} : vector<50x100xi32>
    %get3A_437 = arith.constant 24 : index
    %get3A_438 = arith.constant 0 : index
    %get3A_439 = vector.load %arg2[%get3A_437, %get3A_438] : memref<64x50xi32, #tpu.memory_space<vmem>>, vector<1x50xi32>
    %get3A_440 = vector.shape_cast %get3A_439 : vector<1x50xi32> to vector<50xi32>
    %broadcast_in_dim3A_441 = vector.shape_cast %get3A_440 : vector<50xi32> to vector<50x1xi32>
    %eq3A_442 = vector.broadcast %broadcast_in_dim3A_441 : vector<50x1xi32> to vector<50x100xi32>
    %eq3A_443 = arith.cmpi eq, %eq3A_442, %iota3A_436 : vector<50x100xi32>
    %convert_element_type3A_444 = arith.extui %eq3A_443 : vector<50x100xi1> to vector<50x100xi32>
    %convert_element_type3A_445 = arith.sitofp %convert_element_type3A_444 : vector<50x100xi32> to vector<50x100xf32>
    %dot_general3A_446 = arith.constant dense<0.000000e+00> : vector<50x50xf32>
    %dot_general3A_447 = tpu.matmul %convert_element_type3A_445, %get3A_8, %dot_general3A_446 {dimension_numbers = #tpu.dot_dimension_numbers<[1], [0], [0], [1], [0, 0, 1, 1], [], []>, transpose_lhs_hint = false} : vector<50x100xf32>, vector<100x50xf32>, vector<50x50xf32> -> vector<50x50xf32>
    %swap3A_448 = arith.constant 24 : index
    %swap3A_449 = arith.constant 0 : index
    %swap3A_450 = arith.constant 44 : index
    %swap3A_451 = vector.load %arg5[%swap3A_448, %swap3A_449, %swap3A_450] : memref<64x50x128xf32, #tpu.memory_space<vmem>>, vector<1x50x50xf32>
    %swap3A_452 = vector.shape_cast %swap3A_451 : vector<1x50x50xf32> to vector<50x50xf32>
    %swap3A_453 = vector.shape_cast %dot_general3A_447 : vector<50x50xf32> to vector<1x50x50xf32>
    tpu.vector_store %arg5[%swap3A_448, %swap3A_449, %swap3A_450], %swap3A_453 {strides = array<i32>} : memref<64x50x128xf32, #tpu.memory_space<vmem>>, vector<1x50x50xf32>,
    %iota3A_454 = tpu.iota {dimensions = array<i32: 1>} : vector<50x100xi32>
    %get3A_455 = arith.constant 25 : index
    %get3A_456 = arith.constant 0 : index
    %get3A_457 = vector.load %arg2[%get3A_455, %get3A_456] : memref<64x50xi32, #tpu.memory_space<vmem>>, vector<1x50xi32>
    %get3A_458 = vector.shape_cast %get3A_457 : vector<1x50xi32> to vector<50xi32>
    %broadcast_in_dim3A_459 = vector.shape_cast %get3A_458 : vector<50xi32> to vector<50x1xi32>
    %eq3A_460 = vector.broadcast %broadcast_in_dim3A_459 : vector<50x1xi32> to vector<50x100xi32>
    %eq3A_461 = arith.cmpi eq, %eq3A_460, %iota3A_454 : vector<50x100xi32>
    %convert_element_type3A_462 = arith.extui %eq3A_461 : vector<50x100xi1> to vector<50x100xi32>
    %convert_element_type3A_463 = arith.sitofp %convert_element_type3A_462 : vector<50x100xi32> to vector<50x100xf32>
    %dot_general3A_464 = arith.constant dense<0.000000e+00> : vector<50x50xf32>
    %dot_general3A_465 = tpu.matmul %convert_element_type3A_463, %get3A_8, %dot_general3A_464 {dimension_numbers = #tpu.dot_dimension_numbers<[1], [0], [0], [1], [0, 0, 1, 1], [], []>, transpose_lhs_hint = false} : vector<50x100xf32>, vector<100x50xf32>, vector<50x50xf32> -> vector<50x50xf32>
    %swap3A_466 = arith.constant 25 : index
    %swap3A_467 = arith.constant 0 : index
    %swap3A_468 = arith.constant 44 : index
    %swap3A_469 = vector.load %arg5[%swap3A_466, %swap3A_467, %swap3A_468] : memref<64x50x128xf32, #tpu.memory_space<vmem>>, vector<1x50x50xf32>
    %swap3A_470 = vector.shape_cast %swap3A_469 : vector<1x50x50xf32> to vector<50x50xf32>
    %swap3A_471 = vector.shape_cast %dot_general3A_465 : vector<50x50xf32> to vector<1x50x50xf32>
    tpu.vector_store %arg5[%swap3A_466, %swap3A_467, %swap3A_468], %swap3A_471 {strides = array<i32>} : memref<64x50x128xf32, #tpu.memory_space<vmem>>, vector<1x50x50xf32>,
    %iota3A_472 = tpu.iota {dimensions = array<i32: 1>} : vector<50x100xi32>
    %get3A_473 = arith.constant 26 : index
    %get3A_474 = arith.constant 0 : index
    %get3A_475 = vector.load %arg2[%get3A_473, %get3A_474] : memref<64x50xi32, #tpu.memory_space<vmem>>, vector<1x50xi32>
    %get3A_476 = vector.shape_cast %get3A_475 : vector<1x50xi32> to vector<50xi32>
    %broadcast_in_dim3A_477 = vector.shape_cast %get3A_476 : vector<50xi32> to vector<50x1xi32>
    %eq3A_478 = vector.broadcast %broadcast_in_dim3A_477 : vector<50x1xi32> to vector<50x100xi32>
    %eq3A_479 = arith.cmpi eq, %eq3A_478, %iota3A_472 : vector<50x100xi32>
    %convert_element_type3A_480 = arith.extui %eq3A_479 : vector<50x100xi1> to vector<50x100xi32>
    %convert_element_type3A_481 = arith.sitofp %convert_element_type3A_480 : vector<50x100xi32> to vector<50x100xf32>
    %dot_general3A_482 = arith.constant dense<0.000000e+00> : vector<50x50xf32>
    %dot_general3A_483 = tpu.matmul %convert_element_type3A_481, %get3A_8, %dot_general3A_482 {dimension_numbers = #tpu.dot_dimension_numbers<[1], [0], [0], [1], [0, 0, 1, 1], [], []>, transpose_lhs_hint = false} : vector<50x100xf32>, vector<100x50xf32>, vector<50x50xf32> -> vector<50x50xf32>
    %swap3A_484 = arith.constant 26 : index
    %swap3A_485 = arith.constant 0 : index
    %swap3A_486 = arith.constant 44 : index
    %swap3A_487 = vector.load %arg5[%swap3A_484, %swap3A_485, %swap3A_486] : memref<64x50x128xf32, #tpu.memory_space<vmem>>, vector<1x50x50xf32>
    %swap3A_488 = vector.shape_cast %swap3A_487 : vector<1x50x50xf32> to vector<50x50xf32>
    %swap3A_489 = vector.shape_cast %dot_general3A_483 : vector<50x50xf32> to vector<1x50x50xf32>
    tpu.vector_store %arg5[%swap3A_484, %swap3A_485, %swap3A_486], %swap3A_489 {strides = array<i32>} : memref<64x50x128xf32, #tpu.memory_space<vmem>>, vector<1x50x50xf32>,
    %iota3A_490 = tpu.iota {dimensions = array<i32: 1>} : vector<50x100xi32>
    %get3A_491 = arith.constant 27 : index
    %get3A_492 = arith.constant 0 : index
    %get3A_493 = vector.load %arg2[%get3A_491, %get3A_492] : memref<64x50xi32, #tpu.memory_space<vmem>>, vector<1x50xi32>
    %get3A_494 = vector.shape_cast %get3A_493 : vector<1x50xi32> to vector<50xi32>
    %broadcast_in_dim3A_495 = vector.shape_cast %get3A_494 : vector<50xi32> to vector<50x1xi32>
    %eq3A_496 = vector.broadcast %broadcast_in_dim3A_495 : vector<50x1xi32> to vector<50x100xi32>
    %eq3A_497 = arith.cmpi eq, %eq3A_496, %iota3A_490 : vector<50x100xi32>
    %convert_element_type3A_498 = arith.extui %eq3A_497 : vector<50x100xi1> to vector<50x100xi32>
    %convert_element_type3A_499 = arith.sitofp %convert_element_type3A_498 : vector<50x100xi32> to vector<50x100xf32>
    %dot_general3A_500 = arith.constant dense<0.000000e+00> : vector<50x50xf32>
    %dot_general3A_501 = tpu.matmul %convert_element_type3A_499, %get3A_8, %dot_general3A_500 {dimension_numbers = #tpu.dot_dimension_numbers<[1], [0], [0], [1], [0, 0, 1, 1], [], []>, transpose_lhs_hint = false} : vector<50x100xf32>, vector<100x50xf32>, vector<50x50xf32> -> vector<50x50xf32>
    %swap3A_502 = arith.constant 27 : index
    %swap3A_503 = arith.constant 0 : index
    %swap3A_504 = arith.constant 44 : index
    %swap3A_505 = vector.load %arg5[%swap3A_502, %swap3A_503, %swap3A_504] : memref<64x50x128xf32, #tpu.memory_space<vmem>>, vector<1x50x50xf32>
    %swap3A_506 = vector.shape_cast %swap3A_505 : vector<1x50x50xf32> to vector<50x50xf32>
    %swap3A_507 = vector.shape_cast %dot_general3A_501 : vector<50x50xf32> to vector<1x50x50xf32>
    tpu.vector_store %arg5[%swap3A_502, %swap3A_503, %swap3A_504], %swap3A_507 {strides = array<i32>} : memref<64x50x128xf32, #tpu.memory_space<vmem>>, vector<1x50x50xf32>,
    %iota3A_508 = tpu.iota {dimensions = array<i32: 1>} : vector<50x100xi32>
    %get3A_509 = arith.constant 28 : index
    %get3A_510 = arith.constant 0 : index
    %get3A_511 = vector.load %arg2[%get3A_509, %get3A_510] : memref<64x50xi32, #tpu.memory_space<vmem>>, vector<1x50xi32>
    %get3A_512 = vector.shape_cast %get3A_511 : vector<1x50xi32> to vector<50xi32>
    %broadcast_in_dim3A_513 = vector.shape_cast %get3A_512 : vector<50xi32> to vector<50x1xi32>
    %eq3A_514 = vector.broadcast %broadcast_in_dim3A_513 : vector<50x1xi32> to vector<50x100xi32>
    %eq3A_515 = arith.cmpi eq, %eq3A_514, %iota3A_508 : vector<50x100xi32>
    %convert_element_type3A_516 = arith.extui %eq3A_515 : vector<50x100xi1> to vector<50x100xi32>
    %convert_element_type3A_517 = arith.sitofp %convert_element_type3A_516 : vector<50x100xi32> to vector<50x100xf32>
    %dot_general3A_518 = arith.constant dense<0.000000e+00> : vector<50x50xf32>
    %dot_general3A_519 = tpu.matmul %convert_element_type3A_517, %get3A_8, %dot_general3A_518 {dimension_numbers = #tpu.dot_dimension_numbers<[1], [0], [0], [1], [0, 0, 1, 1], [], []>, transpose_lhs_hint = false} : vector<50x100xf32>, vector<100x50xf32>, vector<50x50xf32> -> vector<50x50xf32>
    %swap3A_520 = arith.constant 28 : index
    %swap3A_521 = arith.constant 0 : index
    %swap3A_522 = arith.constant 44 : index
    %swap3A_523 = vector.load %arg5[%swap3A_520, %swap3A_521, %swap3A_522] : memref<64x50x128xf32, #tpu.memory_space<vmem>>, vector<1x50x50xf32>
    %swap3A_524 = vector.shape_cast %swap3A_523 : vector<1x50x50xf32> to vector<50x50xf32>
    %swap3A_525 = vector.shape_cast %dot_general3A_519 : vector<50x50xf32> to vector<1x50x50xf32>
    tpu.vector_store %arg5[%swap3A_520, %swap3A_521, %swap3A_522], %swap3A_525 {strides = array<i32>} : memref<64x50x128xf32, #tpu.memory_space<vmem>>, vector<1x50x50xf32>,
    %iota3A_526 = tpu.iota {dimensions = array<i32: 1>} : vector<50x100xi32>
    %get3A_527 = arith.constant 29 : index
    %get3A_528 = arith.constant 0 : index
    %get3A_529 = vector.load %arg2[%get3A_527, %get3A_528] : memref<64x50xi32, #tpu.memory_space<vmem>>, vector<1x50xi32>
    %get3A_530 = vector.shape_cast %get3A_529 : vector<1x50xi32> to vector<50xi32>
    %broadcast_in_dim3A_531 = vector.shape_cast %get3A_530 : vector<50xi32> to vector<50x1xi32>
    %eq3A_532 = vector.broadcast %broadcast_in_dim3A_531 : vector<50x1xi32> to vector<50x100xi32>
    %eq3A_533 = arith.cmpi eq, %eq3A_532, %iota3A_526 : vector<50x100xi32>
    %convert_element_type3A_534 = arith.extui %eq3A_533 : vector<50x100xi1> to vector<50x100xi32>
    %convert_element_type3A_535 = arith.sitofp %convert_element_type3A_534 : vector<50x100xi32> to vector<50x100xf32>
    %dot_general3A_536 = arith.constant dense<0.000000e+00> : vector<50x50xf32>
    %dot_general3A_537 = tpu.matmul %convert_element_type3A_535, %get3A_8, %dot_general3A_536 {dimension_numbers = #tpu.dot_dimension_numbers<[1], [0], [0], [1], [0, 0, 1, 1], [], []>, transpose_lhs_hint = false} : vector<50x100xf32>, vector<100x50xf32>, vector<50x50xf32> -> vector<50x50xf32>
    %swap3A_538 = arith.constant 29 : index
    %swap3A_539 = arith.constant 0 : index
    %swap3A_540 = arith.constant 44 : index
    %swap3A_541 = vector.load %arg5[%swap3A_538, %swap3A_539, %swap3A_540] : memref<64x50x128xf32, #tpu.memory_space<vmem>>, vector<1x50x50xf32>
    %swap3A_542 = vector.shape_cast %swap3A_541 : vector<1x50x50xf32> to vector<50x50xf32>
    %swap3A_543 = vector.shape_cast %dot_general3A_537 : vector<50x50xf32> to vector<1x50x50xf32>
    tpu.vector_store %arg5[%swap3A_538, %swap3A_539, %swap3A_540], %swap3A_543 {strides = array<i32>} : memref<64x50x128xf32, #tpu.memory_space<vmem>>, vector<1x50x50xf32>,
    %iota3A_544 = tpu.iota {dimensions = array<i32: 1>} : vector<50x100xi32>
    %get3A_545 = arith.constant 30 : index
    %get3A_546 = arith.constant 0 : index
    %get3A_547 = vector.load %arg2[%get3A_545, %get3A_546] : memref<64x50xi32, #tpu.memory_space<vmem>>, vector<1x50xi32>
    %get3A_548 = vector.shape_cast %get3A_547 : vector<1x50xi32> to vector<50xi32>
    %broadcast_in_dim3A_549 = vector.shape_cast %get3A_548 : vector<50xi32> to vector<50x1xi32>
    %eq3A_550 = vector.broadcast %broadcast_in_dim3A_549 : vector<50x1xi32> to vector<50x100xi32>
    %eq3A_551 = arith.cmpi eq, %eq3A_550, %iota3A_544 : vector<50x100xi32>
    %convert_element_type3A_552 = arith.extui %eq3A_551 : vector<50x100xi1> to vector<50x100xi32>
    %convert_element_type3A_553 = arith.sitofp %convert_element_type3A_552 : vector<50x100xi32> to vector<50x100xf32>
    %dot_general3A_554 = arith.constant dense<0.000000e+00> : vector<50x50xf32>
    %dot_general3A_555 = tpu.matmul %convert_element_type3A_553, %get3A_8, %dot_general3A_554 {dimension_numbers = #tpu.dot_dimension_numbers<[1], [0], [0], [1], [0, 0, 1, 1], [], []>, transpose_lhs_hint = false} : vector<50x100xf32>, vector<100x50xf32>, vector<50x50xf32> -> vector<50x50xf32>
    %swap3A_556 = arith.constant 30 : index
    %swap3A_557 = arith.constant 0 : index
    %swap3A_558 = arith.constant 44 : index
    %swap3A_559 = vector.load %arg5[%swap3A_556, %swap3A_557, %swap3A_558] : memref<64x50x128xf32, #tpu.memory_space<vmem>>, vector<1x50x50xf32>
    %swap3A_560 = vector.shape_cast %swap3A_559 : vector<1x50x50xf32> to vector<50x50xf32>
    %swap3A_561 = vector.shape_cast %dot_general3A_555 : vector<50x50xf32> to vector<1x50x50xf32>
    tpu.vector_store %arg5[%swap3A_556, %swap3A_557, %swap3A_558], %swap3A_561 {strides = array<i32>} : memref<64x50x128xf32, #tpu.memory_space<vmem>>, vector<1x50x50xf32>,
    %iota3A_562 = tpu.iota {dimensions = array<i32: 1>} : vector<50x100xi32>
    %get3A_563 = arith.constant 31 : index
    %get3A_564 = arith.constant 0 : index
    %get3A_565 = vector.load %arg2[%get3A_563, %get3A_564] : memref<64x50xi32, #tpu.memory_space<vmem>>, vector<1x50xi32>
    %get3A_566 = vector.shape_cast %get3A_565 : vector<1x50xi32> to vector<50xi32>
    %broadcast_in_dim3A_567 = vector.shape_cast %get3A_566 : vector<50xi32> to vector<50x1xi32>
    %eq3A_568 = vector.broadcast %broadcast_in_dim3A_567 : vector<50x1xi32> to vector<50x100xi32>
    %eq3A_569 = arith.cmpi eq, %eq3A_568, %iota3A_562 : vector<50x100xi32>
    %convert_element_type3A_570 = arith.extui %eq3A_569 : vector<50x100xi1> to vector<50x100xi32>
    %convert_element_type3A_571 = arith.sitofp %convert_element_type3A_570 : vector<50x100xi32> to vector<50x100xf32>
    %dot_general3A_572 = arith.constant dense<0.000000e+00> : vector<50x50xf32>
    %dot_general3A_573 = tpu.matmul %convert_element_type3A_571, %get3A_8, %dot_general3A_572 {dimension_numbers = #tpu.dot_dimension_numbers<[1], [0], [0], [1], [0, 0, 1, 1], [], []>, transpose_lhs_hint = false} : vector<50x100xf32>, vector<100x50xf32>, vector<50x50xf32> -> vector<50x50xf32>
    %swap3A_574 = arith.constant 31 : index
    %swap3A_575 = arith.constant 0 : index
    %swap3A_576 = arith.constant 44 : index
    %swap3A_577 = vector.load %arg5[%swap3A_574, %swap3A_575, %swap3A_576] : memref<64x50x128xf32, #tpu.memory_space<vmem>>, vector<1x50x50xf32>
    %swap3A_578 = vector.shape_cast %swap3A_577 : vector<1x50x50xf32> to vector<50x50xf32>
    %swap3A_579 = vector.shape_cast %dot_general3A_573 : vector<50x50xf32> to vector<1x50x50xf32>
    tpu.vector_store %arg5[%swap3A_574, %swap3A_575, %swap3A_576], %swap3A_579 {strides = array<i32>} : memref<64x50x128xf32, #tpu.memory_space<vmem>>, vector<1x50x50xf32>,
    %iota3A_580 = tpu.iota {dimensions = array<i32: 1>} : vector<50x100xi32>
    %get3A_581 = arith.constant 32 : index
    %get3A_582 = arith.constant 0 : index
    %get3A_583 = vector.load %arg2[%get3A_581, %get3A_582] : memref<64x50xi32, #tpu.memory_space<vmem>>, vector<1x50xi32>
    %get3A_584 = vector.shape_cast %get3A_583 : vector<1x50xi32> to vector<50xi32>
    %broadcast_in_dim3A_585 = vector.shape_cast %get3A_584 : vector<50xi32> to vector<50x1xi32>
    %eq3A_586 = vector.broadcast %broadcast_in_dim3A_585 : vector<50x1xi32> to vector<50x100xi32>
    %eq3A_587 = arith.cmpi eq, %eq3A_586, %iota3A_580 : vector<50x100xi32>
    %convert_element_type3A_588 = arith.extui %eq3A_587 : vector<50x100xi1> to vector<50x100xi32>
    %convert_element_type3A_589 = arith.sitofp %convert_element_type3A_588 : vector<50x100xi32> to vector<50x100xf32>
    %dot_general3A_590 = arith.constant dense<0.000000e+00> : vector<50x50xf32>
    %dot_general3A_591 = tpu.matmul %convert_element_type3A_589, %get3A_8, %dot_general3A_590 {dimension_numbers = #tpu.dot_dimension_numbers<[1], [0], [0], [1], [0, 0, 1, 1], [], []>, transpose_lhs_hint = false} : vector<50x100xf32>, vector<100x50xf32>, vector<50x50xf32> -> vector<50x50xf32>
    %swap3A_592 = arith.constant 32 : index
    %swap3A_593 = arith.constant 0 : index
    %swap3A_594 = arith.constant 44 : index
    %swap3A_595 = vector.load %arg5[%swap3A_592, %swap3A_593, %swap3A_594] : memref<64x50x128xf32, #tpu.memory_space<vmem>>, vector<1x50x50xf32>
    %swap3A_596 = vector.shape_cast %swap3A_595 : vector<1x50x50xf32> to vector<50x50xf32>
    %swap3A_597 = vector.shape_cast %dot_general3A_591 : vector<50x50xf32> to vector<1x50x50xf32>
    tpu.vector_store %arg5[%swap3A_592, %swap3A_593, %swap3A_594], %swap3A_597 {strides = array<i32>} : memref<64x50x128xf32, #tpu.memory_space<vmem>>, vector<1x50x50xf32>,
    %iota3A_598 = tpu.iota {dimensions = array<i32: 1>} : vector<50x100xi32>
    %get3A_599 = arith.constant 33 : index
    %get3A_600 = arith.constant 0 : index
    %get3A_601 = vector.load %arg2[%get3A_599, %get3A_600] : memref<64x50xi32, #tpu.memory_space<vmem>>, vector<1x50xi32>
    %get3A_602 = vector.shape_cast %get3A_601 : vector<1x50xi32> to vector<50xi32>
    %broadcast_in_dim3A_603 = vector.shape_cast %get3A_602 : vector<50xi32> to vector<50x1xi32>
    %eq3A_604 = vector.broadcast %broadcast_in_dim3A_603 : vector<50x1xi32> to vector<50x100xi32>
    %eq3A_605 = arith.cmpi eq, %eq3A_604, %iota3A_598 : vector<50x100xi32>
    %convert_element_type3A_606 = arith.extui %eq3A_605 : vector<50x100xi1> to vector<50x100xi32>
    %convert_element_type3A_607 = arith.sitofp %convert_element_type3A_606 : vector<50x100xi32> to vector<50x100xf32>
    %dot_general3A_608 = arith.constant dense<0.000000e+00> : vector<50x50xf32>
    %dot_general3A_609 = tpu.matmul %convert_element_type3A_607, %get3A_8, %dot_general3A_608 {dimension_numbers = #tpu.dot_dimension_numbers<[1], [0], [0], [1], [0, 0, 1, 1], [], []>, transpose_lhs_hint = false} : vector<50x100xf32>, vector<100x50xf32>, vector<50x50xf32> -> vector<50x50xf32>
    %swap3A_610 = arith.constant 33 : index
    %swap3A_611 = arith.constant 0 : index
    %swap3A_612 = arith.constant 44 : index
    %swap3A_613 = vector.load %arg5[%swap3A_610, %swap3A_611, %swap3A_612] : memref<64x50x128xf32, #tpu.memory_space<vmem>>, vector<1x50x50xf32>
    %swap3A_614 = vector.shape_cast %swap3A_613 : vector<1x50x50xf32> to vector<50x50xf32>
    %swap3A_615 = vector.shape_cast %dot_general3A_609 : vector<50x50xf32> to vector<1x50x50xf32>
    tpu.vector_store %arg5[%swap3A_610, %swap3A_611, %swap3A_612], %swap3A_615 {strides = array<i32>} : memref<64x50x128xf32, #tpu.memory_space<vmem>>, vector<1x50x50xf32>,
    %iota3A_616 = tpu.iota {dimensions = array<i32: 1>} : vector<50x100xi32>
    %get3A_617 = arith.constant 34 : index
    %get3A_618 = arith.constant 0 : index
    %get3A_619 = vector.load %arg2[%get3A_617, %get3A_618] : memref<64x50xi32, #tpu.memory_space<vmem>>, vector<1x50xi32>
    %get3A_620 = vector.shape_cast %get3A_619 : vector<1x50xi32> to vector<50xi32>
    %broadcast_in_dim3A_621 = vector.shape_cast %get3A_620 : vector<50xi32> to vector<50x1xi32>
    %eq3A_622 = vector.broadcast %broadcast_in_dim3A_621 : vector<50x1xi32> to vector<50x100xi32>
    %eq3A_623 = arith.cmpi eq, %eq3A_622, %iota3A_616 : vector<50x100xi32>
    %convert_element_type3A_624 = arith.extui %eq3A_623 : vector<50x100xi1> to vector<50x100xi32>
    %convert_element_type3A_625 = arith.sitofp %convert_element_type3A_624 : vector<50x100xi32> to vector<50x100xf32>
    %dot_general3A_626 = arith.constant dense<0.000000e+00> : vector<50x50xf32>
    %dot_general3A_627 = tpu.matmul %convert_element_type3A_625, %get3A_8, %dot_general3A_626 {dimension_numbers = #tpu.dot_dimension_numbers<[1], [0], [0], [1], [0, 0, 1, 1], [], []>, transpose_lhs_hint = false} : vector<50x100xf32>, vector<100x50xf32>, vector<50x50xf32> -> vector<50x50xf32>
    %swap3A_628 = arith.constant 34 : index
    %swap3A_629 = arith.constant 0 : index
    %swap3A_630 = arith.constant 44 : index
    %swap3A_631 = vector.load %arg5[%swap3A_628, %swap3A_629, %swap3A_630] : memref<64x50x128xf32, #tpu.memory_space<vmem>>, vector<1x50x50xf32>
    %swap3A_632 = vector.shape_cast %swap3A_631 : vector<1x50x50xf32> to vector<50x50xf32>
    %swap3A_633 = vector.shape_cast %dot_general3A_627 : vector<50x50xf32> to vector<1x50x50xf32>
    tpu.vector_store %arg5[%swap3A_628, %swap3A_629, %swap3A_630], %swap3A_633 {strides = array<i32>} : memref<64x50x128xf32, #tpu.memory_space<vmem>>, vector<1x50x50xf32>,
    %iota3A_634 = tpu.iota {dimensions = array<i32: 1>} : vector<50x100xi32>
    %get3A_635 = arith.constant 35 : index
    %get3A_636 = arith.constant 0 : index
    %get3A_637 = vector.load %arg2[%get3A_635, %get3A_636] : memref<64x50xi32, #tpu.memory_space<vmem>>, vector<1x50xi32>
    %get3A_638 = vector.shape_cast %get3A_637 : vector<1x50xi32> to vector<50xi32>
    %broadcast_in_dim3A_639 = vector.shape_cast %get3A_638 : vector<50xi32> to vector<50x1xi32>
    %eq3A_640 = vector.broadcast %broadcast_in_dim3A_639 : vector<50x1xi32> to vector<50x100xi32>
    %eq3A_641 = arith.cmpi eq, %eq3A_640, %iota3A_634 : vector<50x100xi32>
    %convert_element_type3A_642 = arith.extui %eq3A_641 : vector<50x100xi1> to vector<50x100xi32>
    %convert_element_type3A_643 = arith.sitofp %convert_element_type3A_642 : vector<50x100xi32> to vector<50x100xf32>
    %dot_general3A_644 = arith.constant dense<0.000000e+00> : vector<50x50xf32>
    %dot_general3A_645 = tpu.matmul %convert_element_type3A_643, %get3A_8, %dot_general3A_644 {dimension_numbers = #tpu.dot_dimension_numbers<[1], [0], [0], [1], [0, 0, 1, 1], [], []>, transpose_lhs_hint = false} : vector<50x100xf32>, vector<100x50xf32>, vector<50x50xf32> -> vector<50x50xf32>
    %swap3A_646 = arith.constant 35 : index
    %swap3A_647 = arith.constant 0 : index
    %swap3A_648 = arith.constant 44 : index
    %swap3A_649 = vector.load %arg5[%swap3A_646, %swap3A_647, %swap3A_648] : memref<64x50x128xf32, #tpu.memory_space<vmem>>, vector<1x50x50xf32>
    %swap3A_650 = vector.shape_cast %swap3A_649 : vector<1x50x50xf32> to vector<50x50xf32>
    %swap3A_651 = vector.shape_cast %dot_general3A_645 : vector<50x50xf32> to vector<1x50x50xf32>
    tpu.vector_store %arg5[%swap3A_646, %swap3A_647, %swap3A_648], %swap3A_651 {strides = array<i32>} : memref<64x50x128xf32, #tpu.memory_space<vmem>>, vector<1x50x50xf32>,
    %iota3A_652 = tpu.iota {dimensions = array<i32: 1>} : vector<50x100xi32>
    %get3A_653 = arith.constant 36 : index
    %get3A_654 = arith.constant 0 : index
    %get3A_655 = vector.load %arg2[%get3A_653, %get3A_654] : memref<64x50xi32, #tpu.memory_space<vmem>>, vector<1x50xi32>
    %get3A_656 = vector.shape_cast %get3A_655 : vector<1x50xi32> to vector<50xi32>
    %broadcast_in_dim3A_657 = vector.shape_cast %get3A_656 : vector<50xi32> to vector<50x1xi32>
    %eq3A_658 = vector.broadcast %broadcast_in_dim3A_657 : vector<50x1xi32> to vector<50x100xi32>
    %eq3A_659 = arith.cmpi eq, %eq3A_658, %iota3A_652 : vector<50x100xi32>
    %convert_element_type3A_660 = arith.extui %eq3A_659 : vector<50x100xi1> to vector<50x100xi32>
    %convert_element_type3A_661 = arith.sitofp %convert_element_type3A_660 : vector<50x100xi32> to vector<50x100xf32>
    %dot_general3A_662 = arith.constant dense<0.000000e+00> : vector<50x50xf32>
    %dot_general3A_663 = tpu.matmul %convert_element_type3A_661, %get3A_8, %dot_general3A_662 {dimension_numbers = #tpu.dot_dimension_numbers<[1], [0], [0], [1], [0, 0, 1, 1], [], []>, transpose_lhs_hint = false} : vector<50x100xf32>, vector<100x50xf32>, vector<50x50xf32> -> vector<50x50xf32>
    %swap3A_664 = arith.constant 36 : index
    %swap3A_665 = arith.constant 0 : index
    %swap3A_666 = arith.constant 44 : index
    %swap3A_667 = vector.load %arg5[%swap3A_664, %swap3A_665, %swap3A_666] : memref<64x50x128xf32, #tpu.memory_space<vmem>>, vector<1x50x50xf32>
    %swap3A_668 = vector.shape_cast %swap3A_667 : vector<1x50x50xf32> to vector<50x50xf32>
    %swap3A_669 = vector.shape_cast %dot_general3A_663 : vector<50x50xf32> to vector<1x50x50xf32>
    tpu.vector_store %arg5[%swap3A_664, %swap3A_665, %swap3A_666], %swap3A_669 {strides = array<i32>} : memref<64x50x128xf32, #tpu.memory_space<vmem>>, vector<1x50x50xf32>,
    %iota3A_670 = tpu.iota {dimensions = array<i32: 1>} : vector<50x100xi32>
    %get3A_671 = arith.constant 37 : index
    %get3A_672 = arith.constant 0 : index
    %get3A_673 = vector.load %arg2[%get3A_671, %get3A_672] : memref<64x50xi32, #tpu.memory_space<vmem>>, vector<1x50xi32>
    %get3A_674 = vector.shape_cast %get3A_673 : vector<1x50xi32> to vector<50xi32>
    %broadcast_in_dim3A_675 = vector.shape_cast %get3A_674 : vector<50xi32> to vector<50x1xi32>
    %eq3A_676 = vector.broadcast %broadcast_in_dim3A_675 : vector<50x1xi32> to vector<50x100xi32>
    %eq3A_677 = arith.cmpi eq, %eq3A_676, %iota3A_670 : vector<50x100xi32>
    %convert_element_type3A_678 = arith.extui %eq3A_677 : vector<50x100xi1> to vector<50x100xi32>
    %convert_element_type3A_679 = arith.sitofp %convert_element_type3A_678 : vector<50x100xi32> to vector<50x100xf32>
    %dot_general3A_680 = arith.constant dense<0.000000e+00> : vector<50x50xf32>
    %dot_general3A_681 = tpu.matmul %convert_element_type3A_679, %get3A_8, %dot_general3A_680 {dimension_numbers = #tpu.dot_dimension_numbers<[1], [0], [0], [1], [0, 0, 1, 1], [], []>, transpose_lhs_hint = false} : vector<50x100xf32>, vector<100x50xf32>, vector<50x50xf32> -> vector<50x50xf32>
    %swap3A_682 = arith.constant 37 : index
    %swap3A_683 = arith.constant 0 : index
    %swap3A_684 = arith.constant 44 : index
    %swap3A_685 = vector.load %arg5[%swap3A_682, %swap3A_683, %swap3A_684] : memref<64x50x128xf32, #tpu.memory_space<vmem>>, vector<1x50x50xf32>
    %swap3A_686 = vector.shape_cast %swap3A_685 : vector<1x50x50xf32> to vector<50x50xf32>
    %swap3A_687 = vector.shape_cast %dot_general3A_681 : vector<50x50xf32> to vector<1x50x50xf32>
    tpu.vector_store %arg5[%swap3A_682, %swap3A_683, %swap3A_684], %swap3A_687 {strides = array<i32>} : memref<64x50x128xf32, #tpu.memory_space<vmem>>, vector<1x50x50xf32>,
    %iota3A_688 = tpu.iota {dimensions = array<i32: 1>} : vector<50x100xi32>
    %get3A_689 = arith.constant 38 : index
    %get3A_690 = arith.constant 0 : index
    %get3A_691 = vector.load %arg2[%get3A_689, %get3A_690] : memref<64x50xi32, #tpu.memory_space<vmem>>, vector<1x50xi32>
    %get3A_692 = vector.shape_cast %get3A_691 : vector<1x50xi32> to vector<50xi32>
    %broadcast_in_dim3A_693 = vector.shape_cast %get3A_692 : vector<50xi32> to vector<50x1xi32>
    %eq3A_694 = vector.broadcast %broadcast_in_dim3A_693 : vector<50x1xi32> to vector<50x100xi32>
    %eq3A_695 = arith.cmpi eq, %eq3A_694, %iota3A_688 : vector<50x100xi32>
    %convert_element_type3A_696 = arith.extui %eq3A_695 : vector<50x100xi1> to vector<50x100xi32>
    %convert_element_type3A_697 = arith.sitofp %convert_element_type3A_696 : vector<50x100xi32> to vector<50x100xf32>
    %dot_general3A_698 = arith.constant dense<0.000000e+00> : vector<50x50xf32>
    %dot_general3A_699 = tpu.matmul %convert_element_type3A_697, %get3A_8, %dot_general3A_698 {dimension_numbers = #tpu.dot_dimension_numbers<[1], [0], [0], [1], [0, 0, 1, 1], [], []>, transpose_lhs_hint = false} : vector<50x100xf32>, vector<100x50xf32>, vector<50x50xf32> -> vector<50x50xf32>
    %swap3A_700 = arith.constant 38 : index
    %swap3A_701 = arith.constant 0 : index
    %swap3A_702 = arith.constant 44 : index
    %swap3A_703 = vector.load %arg5[%swap3A_700, %swap3A_701, %swap3A_702] : memref<64x50x128xf32, #tpu.memory_space<vmem>>, vector<1x50x50xf32>
    %swap3A_704 = vector.shape_cast %swap3A_703 : vector<1x50x50xf32> to vector<50x50xf32>
    %swap3A_705 = vector.shape_cast %dot_general3A_699 : vector<50x50xf32> to vector<1x50x50xf32>
    tpu.vector_store %arg5[%swap3A_700, %swap3A_701, %swap3A_702], %swap3A_705 {strides = array<i32>} : memref<64x50x128xf32, #tpu.memory_space<vmem>>, vector<1x50x50xf32>,
    %iota3A_706 = tpu.iota {dimensions = array<i32: 1>} : vector<50x100xi32>
    %get3A_707 = arith.constant 39 : index
    %get3A_708 = arith.constant 0 : index
    %get3A_709 = vector.load %arg2[%get3A_707, %get3A_708] : memref<64x50xi32, #tpu.memory_space<vmem>>, vector<1x50xi32>
    %get3A_710 = vector.shape_cast %get3A_709 : vector<1x50xi32> to vector<50xi32>
    %broadcast_in_dim3A_711 = vector.shape_cast %get3A_710 : vector<50xi32> to vector<50x1xi32>
    %eq3A_712 = vector.broadcast %broadcast_in_dim3A_711 : vector<50x1xi32> to vector<50x100xi32>
    %eq3A_713 = arith.cmpi eq, %eq3A_712, %iota3A_706 : vector<50x100xi32>
    %convert_element_type3A_714 = arith.extui %eq3A_713 : vector<50x100xi1> to vector<50x100xi32>
    %convert_element_type3A_715 = arith.sitofp %convert_element_type3A_714 : vector<50x100xi32> to vector<50x100xf32>
    %dot_general3A_716 = arith.constant dense<0.000000e+00> : vector<50x50xf32>
    %dot_general3A_717 = tpu.matmul %convert_element_type3A_715, %get3A_8, %dot_general3A_716 {dimension_numbers = #tpu.dot_dimension_numbers<[1], [0], [0], [1], [0, 0, 1, 1], [], []>, transpose_lhs_hint = false} : vector<50x100xf32>, vector<100x50xf32>, vector<50x50xf32> -> vector<50x50xf32>
    %swap3A_718 = arith.constant 39 : index
    %swap3A_719 = arith.constant 0 : index
    %swap3A_720 = arith.constant 44 : index
    %swap3A_721 = vector.load %arg5[%swap3A_718, %swap3A_719, %swap3A_720] : memref<64x50x128xf32, #tpu.memory_space<vmem>>, vector<1x50x50xf32>
    %swap3A_722 = vector.shape_cast %swap3A_721 : vector<1x50x50xf32> to vector<50x50xf32>
    %swap3A_723 = vector.shape_cast %dot_general3A_717 : vector<50x50xf32> to vector<1x50x50xf32>
    tpu.vector_store %arg5[%swap3A_718, %swap3A_719, %swap3A_720], %swap3A_723 {strides = array<i32>} : memref<64x50x128xf32, #tpu.memory_space<vmem>>, vector<1x50x50xf32>,
    %iota3A_724 = tpu.iota {dimensions = array<i32: 1>} : vector<50x100xi32>
    %get3A_725 = arith.constant 40 : index
    %get3A_726 = arith.constant 0 : index
    %get3A_727 = vector.load %arg2[%get3A_725, %get3A_726] : memref<64x50xi32, #tpu.memory_space<vmem>>, vector<1x50xi32>
    %get3A_728 = vector.shape_cast %get3A_727 : vector<1x50xi32> to vector<50xi32>
    %broadcast_in_dim3A_729 = vector.shape_cast %get3A_728 : vector<50xi32> to vector<50x1xi32>
    %eq3A_730 = vector.broadcast %broadcast_in_dim3A_729 : vector<50x1xi32> to vector<50x100xi32>
    %eq3A_731 = arith.cmpi eq, %eq3A_730, %iota3A_724 : vector<50x100xi32>
    %convert_element_type3A_732 = arith.extui %eq3A_731 : vector<50x100xi1> to vector<50x100xi32>
    %convert_element_type3A_733 = arith.sitofp %convert_element_type3A_732 : vector<50x100xi32> to vector<50x100xf32>
    %dot_general3A_734 = arith.constant dense<0.000000e+00> : vector<50x50xf32>
    %dot_general3A_735 = tpu.matmul %convert_element_type3A_733, %get3A_8, %dot_general3A_734 {dimension_numbers = #tpu.dot_dimension_numbers<[1], [0], [0], [1], [0, 0, 1, 1], [], []>, transpose_lhs_hint = false} : vector<50x100xf32>, vector<100x50xf32>, vector<50x50xf32> -> vector<50x50xf32>
    %swap3A_736 = arith.constant 40 : index
    %swap3A_737 = arith.constant 0 : index
    %swap3A_738 = arith.constant 44 : index
    %swap3A_739 = vector.load %arg5[%swap3A_736, %swap3A_737, %swap3A_738] : memref<64x50x128xf32, #tpu.memory_space<vmem>>, vector<1x50x50xf32>
    %swap3A_740 = vector.shape_cast %swap3A_739 : vector<1x50x50xf32> to vector<50x50xf32>
    %swap3A_741 = vector.shape_cast %dot_general3A_735 : vector<50x50xf32> to vector<1x50x50xf32>
    tpu.vector_store %arg5[%swap3A_736, %swap3A_737, %swap3A_738], %swap3A_741 {strides = array<i32>} : memref<64x50x128xf32, #tpu.memory_space<vmem>>, vector<1x50x50xf32>,
    %iota3A_742 = tpu.iota {dimensions = array<i32: 1>} : vector<50x100xi32>
    %get3A_743 = arith.constant 41 : index
    %get3A_744 = arith.constant 0 : index
    %get3A_745 = vector.load %arg2[%get3A_743, %get3A_744] : memref<64x50xi32, #tpu.memory_space<vmem>>, vector<1x50xi32>
    %get3A_746 = vector.shape_cast %get3A_745 : vector<1x50xi32> to vector<50xi32>
    %broadcast_in_dim3A_747 = vector.shape_cast %get3A_746 : vector<50xi32> to vector<50x1xi32>
    %eq3A_748 = vector.broadcast %broadcast_in_dim3A_747 : vector<50x1xi32> to vector<50x100xi32>
    %eq3A_749 = arith.cmpi eq, %eq3A_748, %iota3A_742 : vector<50x100xi32>
    %convert_element_type3A_750 = arith.extui %eq3A_749 : vector<50x100xi1> to vector<50x100xi32>
    %convert_element_type3A_751 = arith.sitofp %convert_element_type3A_750 : vector<50x100xi32> to vector<50x100xf32>
    %dot_general3A_752 = arith.constant dense<0.000000e+00> : vector<50x50xf32>
    %dot_general3A_753 = tpu.matmul %convert_element_type3A_751, %get3A_8, %dot_general3A_752 {dimension_numbers = #tpu.dot_dimension_numbers<[1], [0], [0], [1], [0, 0, 1, 1], [], []>, transpose_lhs_hint = false} : vector<50x100xf32>, vector<100x50xf32>, vector<50x50xf32> -> vector<50x50xf32>
    %swap3A_754 = arith.constant 41 : index
    %swap3A_755 = arith.constant 0 : index
    %swap3A_756 = arith.constant 44 : index
    %swap3A_757 = vector.load %arg5[%swap3A_754, %swap3A_755, %swap3A_756] : memref<64x50x128xf32, #tpu.memory_space<vmem>>, vector<1x50x50xf32>
    %swap3A_758 = vector.shape_cast %swap3A_757 : vector<1x50x50xf32> to vector<50x50xf32>
    %swap3A_759 = vector.shape_cast %dot_general3A_753 : vector<50x50xf32> to vector<1x50x50xf32>
    tpu.vector_store %arg5[%swap3A_754, %swap3A_755, %swap3A_756], %swap3A_759 {strides = array<i32>} : memref<64x50x128xf32, #tpu.memory_space<vmem>>, vector<1x50x50xf32>,
    %iota3A_760 = tpu.iota {dimensions = array<i32: 1>} : vector<50x100xi32>
    %get3A_761 = arith.constant 42 : index
    %get3A_762 = arith.constant 0 : index
    %get3A_763 = vector.load %arg2[%get3A_761, %get3A_762] : memref<64x50xi32, #tpu.memory_space<vmem>>, vector<1x50xi32>
    %get3A_764 = vector.shape_cast %get3A_763 : vector<1x50xi32> to vector<50xi32>
    %broadcast_in_dim3A_765 = vector.shape_cast %get3A_764 : vector<50xi32> to vector<50x1xi32>
    %eq3A_766 = vector.broadcast %broadcast_in_dim3A_765 : vector<50x1xi32> to vector<50x100xi32>
    %eq3A_767 = arith.cmpi eq, %eq3A_766, %iota3A_760 : vector<50x100xi32>
    %convert_element_type3A_768 = arith.extui %eq3A_767 : vector<50x100xi1> to vector<50x100xi32>
    %convert_element_type3A_769 = arith.sitofp %convert_element_type3A_768 : vector<50x100xi32> to vector<50x100xf32>
    %dot_general3A_770 = arith.constant dense<0.000000e+00> : vector<50x50xf32>
    %dot_general3A_771 = tpu.matmul %convert_element_type3A_769, %get3A_8, %dot_general3A_770 {dimension_numbers = #tpu.dot_dimension_numbers<[1], [0], [0], [1], [0, 0, 1, 1], [], []>, transpose_lhs_hint = false} : vector<50x100xf32>, vector<100x50xf32>, vector<50x50xf32> -> vector<50x50xf32>
    %swap3A_772 = arith.constant 42 : index
    %swap3A_773 = arith.constant 0 : index
    %swap3A_774 = arith.constant 44 : index
    %swap3A_775 = vector.load %arg5[%swap3A_772, %swap3A_773, %swap3A_774] : memref<64x50x128xf32, #tpu.memory_space<vmem>>, vector<1x50x50xf32>
    %swap3A_776 = vector.shape_cast %swap3A_775 : vector<1x50x50xf32> to vector<50x50xf32>
    %swap3A_777 = vector.shape_cast %dot_general3A_771 : vector<50x50xf32> to vector<1x50x50xf32>
    tpu.vector_store %arg5[%swap3A_772, %swap3A_773, %swap3A_774], %swap3A_777 {strides = array<i32>} : memref<64x50x128xf32, #tpu.memory_space<vmem>>, vector<1x50x50xf32>,
    %iota3A_778 = tpu.iota {dimensions = array<i32: 1>} : vector<50x100xi32>
    %get3A_779 = arith.constant 43 : index
    %get3A_780 = arith.constant 0 : index
    %get3A_781 = vector.load %arg2[%get3A_779, %get3A_780] : memref<64x50xi32, #tpu.memory_space<vmem>>, vector<1x50xi32>
    %get3A_782 = vector.shape_cast %get3A_781 : vector<1x50xi32> to vector<50xi32>
    %broadcast_in_dim3A_783 = vector.shape_cast %get3A_782 : vector<50xi32> to vector<50x1xi32>
    %eq3A_784 = vector.broadcast %broadcast_in_dim3A_783 : vector<50x1xi32> to vector<50x100xi32>
    %eq3A_785 = arith.cmpi eq, %eq3A_784, %iota3A_778 : vector<50x100xi32>
    %convert_element_type3A_786 = arith.extui %eq3A_785 : vector<50x100xi1> to vector<50x100xi32>
    %convert_element_type3A_787 = arith.sitofp %convert_element_type3A_786 : vector<50x100xi32> to vector<50x100xf32>
    %dot_general3A_788 = arith.constant dense<0.000000e+00> : vector<50x50xf32>
    %dot_general3A_789 = tpu.matmul %convert_element_type3A_787, %get3A_8, %dot_general3A_788 {dimension_numbers = #tpu.dot_dimension_numbers<[1], [0], [0], [1], [0, 0, 1, 1], [], []>, transpose_lhs_hint = false} : vector<50x100xf32>, vector<100x50xf32>, vector<50x50xf32> -> vector<50x50xf32>
    %swap3A_790 = arith.constant 43 : index
    %swap3A_791 = arith.constant 0 : index
    %swap3A_792 = arith.constant 44 : index
    %swap3A_793 = vector.load %arg5[%swap3A_790, %swap3A_791, %swap3A_792] : memref<64x50x128xf32, #tpu.memory_space<vmem>>, vector<1x50x50xf32>
    %swap3A_794 = vector.shape_cast %swap3A_793 : vector<1x50x50xf32> to vector<50x50xf32>
    %swap3A_795 = vector.shape_cast %dot_general3A_789 : vector<50x50xf32> to vector<1x50x50xf32>
    tpu.vector_store %arg5[%swap3A_790, %swap3A_791, %swap3A_792], %swap3A_795 {strides = array<i32>} : memref<64x50x128xf32, #tpu.memory_space<vmem>>, vector<1x50x50xf32>,
    %iota3A_796 = tpu.iota {dimensions = array<i32: 1>} : vector<50x100xi32>
    %get3A_797 = arith.constant 44 : index
    %get3A_798 = arith.constant 0 : index
    %get3A_799 = vector.load %arg2[%get3A_797, %get3A_798] : memref<64x50xi32, #tpu.memory_space<vmem>>, vector<1x50xi32>
    %get3A_800 = vector.shape_cast %get3A_799 : vector<1x50xi32> to vector<50xi32>
    %broadcast_in_dim3A_801 = vector.shape_cast %get3A_800 : vector<50xi32> to vector<50x1xi32>
    %eq3A_802 = vector.broadcast %broadcast_in_dim3A_801 : vector<50x1xi32> to vector<50x100xi32>
    %eq3A_803 = arith.cmpi eq, %eq3A_802, %iota3A_796 : vector<50x100xi32>
    %convert_element_type3A_804 = arith.extui %eq3A_803 : vector<50x100xi1> to vector<50x100xi32>
    %convert_element_type3A_805 = arith.sitofp %convert_element_type3A_804 : vector<50x100xi32> to vector<50x100xf32>
    %dot_general3A_806 = arith.constant dense<0.000000e+00> : vector<50x50xf32>
    %dot_general3A_807 = tpu.matmul %convert_element_type3A_805, %get3A_8, %dot_general3A_806 {dimension_numbers = #tpu.dot_dimension_numbers<[1], [0], [0], [1], [0, 0, 1, 1], [], []>, transpose_lhs_hint = false} : vector<50x100xf32>, vector<100x50xf32>, vector<50x50xf32> -> vector<50x50xf32>
    %swap3A_808 = arith.constant 44 : index
    %swap3A_809 = arith.constant 0 : index
    %swap3A_810 = arith.constant 44 : index
    %swap3A_811 = vector.load %arg5[%swap3A_808, %swap3A_809, %swap3A_810] : memref<64x50x128xf32, #tpu.memory_space<vmem>>, vector<1x50x50xf32>
    %swap3A_812 = vector.shape_cast %swap3A_811 : vector<1x50x50xf32> to vector<50x50xf32>
    %swap3A_813 = vector.shape_cast %dot_general3A_807 : vector<50x50xf32> to vector<1x50x50xf32>
    tpu.vector_store %arg5[%swap3A_808, %swap3A_809, %swap3A_810], %swap3A_813 {strides = array<i32>} : memref<64x50x128xf32, #tpu.memory_space<vmem>>, vector<1x50x50xf32>,
    %iota3A_814 = tpu.iota {dimensions = array<i32: 1>} : vector<50x100xi32>
    %get3A_815 = arith.constant 45 : index
    %get3A_816 = arith.constant 0 : index
    %get3A_817 = vector.load %arg2[%get3A_815, %get3A_816] : memref<64x50xi32, #tpu.memory_space<vmem>>, vector<1x50xi32>
    %get3A_818 = vector.shape_cast %get3A_817 : vector<1x50xi32> to vector<50xi32>
    %broadcast_in_dim3A_819 = vector.shape_cast %get3A_818 : vector<50xi32> to vector<50x1xi32>
    %eq3A_820 = vector.broadcast %broadcast_in_dim3A_819 : vector<50x1xi32> to vector<50x100xi32>
    %eq3A_821 = arith.cmpi eq, %eq3A_820, %iota3A_814 : vector<50x100xi32>
    %convert_element_type3A_822 = arith.extui %eq3A_821 : vector<50x100xi1> to vector<50x100xi32>
    %convert_element_type3A_823 = arith.sitofp %convert_element_type3A_822 : vector<50x100xi32> to vector<50x100xf32>
    %dot_general3A_824 = arith.constant dense<0.000000e+00> : vector<50x50xf32>
    %dot_general3A_825 = tpu.matmul %convert_element_type3A_823, %get3A_8, %dot_general3A_824 {dimension_numbers = #tpu.dot_dimension_numbers<[1], [0], [0], [1], [0, 0, 1, 1], [], []>, transpose_lhs_hint = false} : vector<50x100xf32>, vector<100x50xf32>, vector<50x50xf32> -> vector<50x50xf32>
    %swap3A_826 = arith.constant 45 : index
    %swap3A_827 = arith.constant 0 : index
    %swap3A_828 = arith.constant 44 : index
    %swap3A_829 = vector.load %arg5[%swap3A_826, %swap3A_827, %swap3A_828] : memref<64x50x128xf32, #tpu.memory_space<vmem>>, vector<1x50x50xf32>
    %swap3A_830 = vector.shape_cast %swap3A_829 : vector<1x50x50xf32> to vector<50x50xf32>
    %swap3A_831 = vector.shape_cast %dot_general3A_825 : vector<50x50xf32> to vector<1x50x50xf32>
    tpu.vector_store %arg5[%swap3A_826, %swap3A_827, %swap3A_828], %swap3A_831 {strides = array<i32>} : memref<64x50x128xf32, #tpu.memory_space<vmem>>, vector<1x50x50xf32>,
    %iota3A_832 = tpu.iota {dimensions = array<i32: 1>} : vector<50x100xi32>
    %get3A_833 = arith.constant 46 : index
    %get3A_834 = arith.constant 0 : index
    %get3A_835 = vector.load %arg2[%get3A_833, %get3A_834] : memref<64x50xi32, #tpu.memory_space<vmem>>, vector<1x50xi32>
    %get3A_836 = vector.shape_cast %get3A_835 : vector<1x50xi32> to vector<50xi32>
    %broadcast_in_dim3A_837 = vector.shape_cast %get3A_836 : vector<50xi32> to vector<50x1xi32>
    %eq3A_838 = vector.broadcast %broadcast_in_dim3A_837 : vector<50x1xi32> to vector<50x100xi32>
    %eq3A_839 = arith.cmpi eq, %eq3A_838, %iota3A_832 : vector<50x100xi32>
    %convert_element_type3A_840 = arith.extui %eq3A_839 : vector<50x100xi1> to vector<50x100xi32>
    %convert_element_type3A_841 = arith.sitofp %convert_element_type3A_840 : vector<50x100xi32> to vector<50x100xf32>
    %dot_general3A_842 = arith.constant dense<0.000000e+00> : vector<50x50xf32>
    %dot_general3A_843 = tpu.matmul %convert_element_type3A_841, %get3A_8, %dot_general3A_842 {dimension_numbers = #tpu.dot_dimension_numbers<[1], [0], [0], [1], [0, 0, 1, 1], [], []>, transpose_lhs_hint = false} : vector<50x100xf32>, vector<100x50xf32>, vector<50x50xf32> -> vector<50x50xf32>
    %swap3A_844 = arith.constant 46 : index
    %swap3A_845 = arith.constant 0 : index
    %swap3A_846 = arith.constant 44 : index
    %swap3A_847 = vector.load %arg5[%swap3A_844, %swap3A_845, %swap3A_846] : memref<64x50x128xf32, #tpu.memory_space<vmem>>, vector<1x50x50xf32>
    %swap3A_848 = vector.shape_cast %swap3A_847 : vector<1x50x50xf32> to vector<50x50xf32>
    %swap3A_849 = vector.shape_cast %dot_general3A_843 : vector<50x50xf32> to vector<1x50x50xf32>
    tpu.vector_store %arg5[%swap3A_844, %swap3A_845, %swap3A_846], %swap3A_849 {strides = array<i32>} : memref<64x50x128xf32, #tpu.memory_space<vmem>>, vector<1x50x50xf32>,
    %iota3A_850 = tpu.iota {dimensions = array<i32: 1>} : vector<50x100xi32>
    %get3A_851 = arith.constant 47 : index
    %get3A_852 = arith.constant 0 : index
    %get3A_853 = vector.load %arg2[%get3A_851, %get3A_852] : memref<64x50xi32, #tpu.memory_space<vmem>>, vector<1x50xi32>
    %get3A_854 = vector.shape_cast %get3A_853 : vector<1x50xi32> to vector<50xi32>
    %broadcast_in_dim3A_855 = vector.shape_cast %get3A_854 : vector<50xi32> to vector<50x1xi32>
    %eq3A_856 = vector.broadcast %broadcast_in_dim3A_855 : vector<50x1xi32> to vector<50x100xi32>
    %eq3A_857 = arith.cmpi eq, %eq3A_856, %iota3A_850 : vector<50x100xi32>
    %convert_element_type3A_858 = arith.extui %eq3A_857 : vector<50x100xi1> to vector<50x100xi32>
    %convert_element_type3A_859 = arith.sitofp %convert_element_type3A_858 : vector<50x100xi32> to vector<50x100xf32>
    %dot_general3A_860 = arith.constant dense<0.000000e+00> : vector<50x50xf32>
    %dot_general3A_861 = tpu.matmul %convert_element_type3A_859, %get3A_8, %dot_general3A_860 {dimension_numbers = #tpu.dot_dimension_numbers<[1], [0], [0], [1], [0, 0, 1, 1], [], []>, transpose_lhs_hint = false} : vector<50x100xf32>, vector<100x50xf32>, vector<50x50xf32> -> vector<50x50xf32>
    %swap3A_862 = arith.constant 47 : index
    %swap3A_863 = arith.constant 0 : index
    %swap3A_864 = arith.constant 44 : index
    %swap3A_865 = vector.load %arg5[%swap3A_862, %swap3A_863, %swap3A_864] : memref<64x50x128xf32, #tpu.memory_space<vmem>>, vector<1x50x50xf32>
    %swap3A_866 = vector.shape_cast %swap3A_865 : vector<1x50x50xf32> to vector<50x50xf32>
    %swap3A_867 = vector.shape_cast %dot_general3A_861 : vector<50x50xf32> to vector<1x50x50xf32>
    tpu.vector_store %arg5[%swap3A_862, %swap3A_863, %swap3A_864], %swap3A_867 {strides = array<i32>} : memref<64x50x128xf32, #tpu.memory_space<vmem>>, vector<1x50x50xf32>,
    %iota3A_868 = tpu.iota {dimensions = array<i32: 1>} : vector<50x100xi32>
    %get3A_869 = arith.constant 48 : index
    %get3A_870 = arith.constant 0 : index
    %get3A_871 = vector.load %arg2[%get3A_869, %get3A_870] : memref<64x50xi32, #tpu.memory_space<vmem>>, vector<1x50xi32>
    %get3A_872 = vector.shape_cast %get3A_871 : vector<1x50xi32> to vector<50xi32>
    %broadcast_in_dim3A_873 = vector.shape_cast %get3A_872 : vector<50xi32> to vector<50x1xi32>
    %eq3A_874 = vector.broadcast %broadcast_in_dim3A_873 : vector<50x1xi32> to vector<50x100xi32>
    %eq3A_875 = arith.cmpi eq, %eq3A_874, %iota3A_868 : vector<50x100xi32>
    %convert_element_type3A_876 = arith.extui %eq3A_875 : vector<50x100xi1> to vector<50x100xi32>
    %convert_element_type3A_877 = arith.sitofp %convert_element_type3A_876 : vector<50x100xi32> to vector<50x100xf32>
    %dot_general3A_878 = arith.constant dense<0.000000e+00> : vector<50x50xf32>
    %dot_general3A_879 = tpu.matmul %convert_element_type3A_877, %get3A_8, %dot_general3A_878 {dimension_numbers = #tpu.dot_dimension_numbers<[1], [0], [0], [1], [0, 0, 1, 1], [], []>, transpose_lhs_hint = false} : vector<50x100xf32>, vector<100x50xf32>, vector<50x50xf32> -> vector<50x50xf32>
    %swap3A_880 = arith.constant 48 : index
    %swap3A_881 = arith.constant 0 : index
    %swap3A_882 = arith.constant 44 : index
    %swap3A_883 = vector.load %arg5[%swap3A_880, %swap3A_881, %swap3A_882] : memref<64x50x128xf32, #tpu.memory_space<vmem>>, vector<1x50x50xf32>
    %swap3A_884 = vector.shape_cast %swap3A_883 : vector<1x50x50xf32> to vector<50x50xf32>
    %swap3A_885 = vector.shape_cast %dot_general3A_879 : vector<50x50xf32> to vector<1x50x50xf32>
    tpu.vector_store %arg5[%swap3A_880, %swap3A_881, %swap3A_882], %swap3A_885 {strides = array<i32>} : memref<64x50x128xf32, #tpu.memory_space<vmem>>, vector<1x50x50xf32>,
    %iota3A_886 = tpu.iota {dimensions = array<i32: 1>} : vector<50x100xi32>
    %get3A_887 = arith.constant 49 : index
    %get3A_888 = arith.constant 0 : index
    %get3A_889 = vector.load %arg2[%get3A_887, %get3A_888] : memref<64x50xi32, #tpu.memory_space<vmem>>, vector<1x50xi32>
    %get3A_890 = vector.shape_cast %get3A_889 : vector<1x50xi32> to vector<50xi32>
    %broadcast_in_dim3A_891 = vector.shape_cast %get3A_890 : vector<50xi32> to vector<50x1xi32>
    %eq3A_892 = vector.broadcast %broadcast_in_dim3A_891 : vector<50x1xi32> to vector<50x100xi32>
    %eq3A_893 = arith.cmpi eq, %eq3A_892, %iota3A_886 : vector<50x100xi32>
    %convert_element_type3A_894 = arith.extui %eq3A_893 : vector<50x100xi1> to vector<50x100xi32>
    %convert_element_type3A_895 = arith.sitofp %convert_element_type3A_894 : vector<50x100xi32> to vector<50x100xf32>
    %dot_general3A_896 = arith.constant dense<0.000000e+00> : vector<50x50xf32>
    %dot_general3A_897 = tpu.matmul %convert_element_type3A_895, %get3A_8, %dot_general3A_896 {dimension_numbers = #tpu.dot_dimension_numbers<[1], [0], [0], [1], [0, 0, 1, 1], [], []>, transpose_lhs_hint = false} : vector<50x100xf32>, vector<100x50xf32>, vector<50x50xf32> -> vector<50x50xf32>
    %swap3A_898 = arith.constant 49 : index
    %swap3A_899 = arith.constant 0 : index
    %swap3A_900 = arith.constant 44 : index
    %swap3A_901 = vector.load %arg5[%swap3A_898, %swap3A_899, %swap3A_900] : memref<64x50x128xf32, #tpu.memory_space<vmem>>, vector<1x50x50xf32>
    %swap3A_902 = vector.shape_cast %swap3A_901 : vector<1x50x50xf32> to vector<50x50xf32>
    %swap3A_903 = vector.shape_cast %dot_general3A_897 : vector<50x50xf32> to vector<1x50x50xf32>
    tpu.vector_store %arg5[%swap3A_898, %swap3A_899, %swap3A_900], %swap3A_903 {strides = array<i32>} : memref<64x50x128xf32, #tpu.memory_space<vmem>>, vector<1x50x50xf32>,
    %iota3A_904 = tpu.iota {dimensions = array<i32: 1>} : vector<50x100xi32>
    %get3A_905 = arith.constant 50 : index
    %get3A_906 = arith.constant 0 : index
    %get3A_907 = vector.load %arg2[%get3A_905, %get3A_906] : memref<64x50xi32, #tpu.memory_space<vmem>>, vector<1x50xi32>
    %get3A_908 = vector.shape_cast %get3A_907 : vector<1x50xi32> to vector<50xi32>
    %broadcast_in_dim3A_909 = vector.shape_cast %get3A_908 : vector<50xi32> to vector<50x1xi32>
    %eq3A_910 = vector.broadcast %broadcast_in_dim3A_909 : vector<50x1xi32> to vector<50x100xi32>
    %eq3A_911 = arith.cmpi eq, %eq3A_910, %iota3A_904 : vector<50x100xi32>
    %convert_element_type3A_912 = arith.extui %eq3A_911 : vector<50x100xi1> to vector<50x100xi32>
    %convert_element_type3A_913 = arith.sitofp %convert_element_type3A_912 : vector<50x100xi32> to vector<50x100xf32>
    %dot_general3A_914 = arith.constant dense<0.000000e+00> : vector<50x50xf32>
    %dot_general3A_915 = tpu.matmul %convert_element_type3A_913, %get3A_8, %dot_general3A_914 {dimension_numbers = #tpu.dot_dimension_numbers<[1], [0], [0], [1], [0, 0, 1, 1], [], []>, transpose_lhs_hint = false} : vector<50x100xf32>, vector<100x50xf32>, vector<50x50xf32> -> vector<50x50xf32>
    %swap3A_916 = arith.constant 50 : index
    %swap3A_917 = arith.constant 0 : index
    %swap3A_918 = arith.constant 44 : index
    %swap3A_919 = vector.load %arg5[%swap3A_916, %swap3A_917, %swap3A_918] : memref<64x50x128xf32, #tpu.memory_space<vmem>>, vector<1x50x50xf32>
    %swap3A_920 = vector.shape_cast %swap3A_919 : vector<1x50x50xf32> to vector<50x50xf32>
    %swap3A_921 = vector.shape_cast %dot_general3A_915 : vector<50x50xf32> to vector<1x50x50xf32>
    tpu.vector_store %arg5[%swap3A_916, %swap3A_917, %swap3A_918], %swap3A_921 {strides = array<i32>} : memref<64x50x128xf32, #tpu.memory_space<vmem>>, vector<1x50x50xf32>,
    %iota3A_922 = tpu.iota {dimensions = array<i32: 1>} : vector<50x100xi32>
    %get3A_923 = arith.constant 51 : index
    %get3A_924 = arith.constant 0 : index
    %get3A_925 = vector.load %arg2[%get3A_923, %get3A_924] : memref<64x50xi32, #tpu.memory_space<vmem>>, vector<1x50xi32>
    %get3A_926 = vector.shape_cast %get3A_925 : vector<1x50xi32> to vector<50xi32>
    %broadcast_in_dim3A_927 = vector.shape_cast %get3A_926 : vector<50xi32> to vector<50x1xi32>
    %eq3A_928 = vector.broadcast %broadcast_in_dim3A_927 : vector<50x1xi32> to vector<50x100xi32>
    %eq3A_929 = arith.cmpi eq, %eq3A_928, %iota3A_922 : vector<50x100xi32>
    %convert_element_type3A_930 = arith.extui %eq3A_929 : vector<50x100xi1> to vector<50x100xi32>
    %convert_element_type3A_931 = arith.sitofp %convert_element_type3A_930 : vector<50x100xi32> to vector<50x100xf32>
    %dot_general3A_932 = arith.constant dense<0.000000e+00> : vector<50x50xf32>
    %dot_general3A_933 = tpu.matmul %convert_element_type3A_931, %get3A_8, %dot_general3A_932 {dimension_numbers = #tpu.dot_dimension_numbers<[1], [0], [0], [1], [0, 0, 1, 1], [], []>, transpose_lhs_hint = false} : vector<50x100xf32>, vector<100x50xf32>, vector<50x50xf32> -> vector<50x50xf32>
    %swap3A_934 = arith.constant 51 : index
    %swap3A_935 = arith.constant 0 : index
    %swap3A_936 = arith.constant 44 : index
    %swap3A_937 = vector.load %arg5[%swap3A_934, %swap3A_935, %swap3A_936] : memref<64x50x128xf32, #tpu.memory_space<vmem>>, vector<1x50x50xf32>
    %swap3A_938 = vector.shape_cast %swap3A_937 : vector<1x50x50xf32> to vector<50x50xf32>
    %swap3A_939 = vector.shape_cast %dot_general3A_933 : vector<50x50xf32> to vector<1x50x50xf32>
    tpu.vector_store %arg5[%swap3A_934, %swap3A_935, %swap3A_936], %swap3A_939 {strides = array<i32>} : memref<64x50x128xf32, #tpu.memory_space<vmem>>, vector<1x50x50xf32>,
    %iota3A_940 = tpu.iota {dimensions = array<i32: 1>} : vector<50x100xi32>
    %get3A_941 = arith.constant 52 : index
    %get3A_942 = arith.constant 0 : index
    %get3A_943 = vector.load %arg2[%get3A_941, %get3A_942] : memref<64x50xi32, #tpu.memory_space<vmem>>, vector<1x50xi32>
    %get3A_944 = vector.shape_cast %get3A_943 : vector<1x50xi32> to vector<50xi32>
    %broadcast_in_dim3A_945 = vector.shape_cast %get3A_944 : vector<50xi32> to vector<50x1xi32>
    %eq3A_946 = vector.broadcast %broadcast_in_dim3A_945 : vector<50x1xi32> to vector<50x100xi32>
    %eq3A_947 = arith.cmpi eq, %eq3A_946, %iota3A_940 : vector<50x100xi32>
    %convert_element_type3A_948 = arith.extui %eq3A_947 : vector<50x100xi1> to vector<50x100xi32>
    %convert_element_type3A_949 = arith.sitofp %convert_element_type3A_948 : vector<50x100xi32> to vector<50x100xf32>
    %dot_general3A_950 = arith.constant dense<0.000000e+00> : vector<50x50xf32>
    %dot_general3A_951 = tpu.matmul %convert_element_type3A_949, %get3A_8, %dot_general3A_950 {dimension_numbers = #tpu.dot_dimension_numbers<[1], [0], [0], [1], [0, 0, 1, 1], [], []>, transpose_lhs_hint = false} : vector<50x100xf32>, vector<100x50xf32>, vector<50x50xf32> -> vector<50x50xf32>
    %swap3A_952 = arith.constant 52 : index
    %swap3A_953 = arith.constant 0 : index
    %swap3A_954 = arith.constant 44 : index
    %swap3A_955 = vector.load %arg5[%swap3A_952, %swap3A_953, %swap3A_954] : memref<64x50x128xf32, #tpu.memory_space<vmem>>, vector<1x50x50xf32>
    %swap3A_956 = vector.shape_cast %swap3A_955 : vector<1x50x50xf32> to vector<50x50xf32>
    %swap3A_957 = vector.shape_cast %dot_general3A_951 : vector<50x50xf32> to vector<1x50x50xf32>
    tpu.vector_store %arg5[%swap3A_952, %swap3A_953, %swap3A_954], %swap3A_957 {strides = array<i32>} : memref<64x50x128xf32, #tpu.memory_space<vmem>>, vector<1x50x50xf32>,
    %iota3A_958 = tpu.iota {dimensions = array<i32: 1>} : vector<50x100xi32>
    %get3A_959 = arith.constant 53 : index
    %get3A_960 = arith.constant 0 : index
    %get3A_961 = vector.load %arg2[%get3A_959, %get3A_960] : memref<64x50xi32, #tpu.memory_space<vmem>>, vector<1x50xi32>
    %get3A_962 = vector.shape_cast %get3A_961 : vector<1x50xi32> to vector<50xi32>
    %broadcast_in_dim3A_963 = vector.shape_cast %get3A_962 : vector<50xi32> to vector<50x1xi32>
    %eq3A_964 = vector.broadcast %broadcast_in_dim3A_963 : vector<50x1xi32> to vector<50x100xi32>
    %eq3A_965 = arith.cmpi eq, %eq3A_964, %iota3A_958 : vector<50x100xi32>
    %convert_element_type3A_966 = arith.extui %eq3A_965 : vector<50x100xi1> to vector<50x100xi32>
    %convert_element_type3A_967 = arith.sitofp %convert_element_type3A_966 : vector<50x100xi32> to vector<50x100xf32>
    %dot_general3A_968 = arith.constant dense<0.000000e+00> : vector<50x50xf32>
    %dot_general3A_969 = tpu.matmul %convert_element_type3A_967, %get3A_8, %dot_general3A_968 {dimension_numbers = #tpu.dot_dimension_numbers<[1], [0], [0], [1], [0, 0, 1, 1], [], []>, transpose_lhs_hint = false} : vector<50x100xf32>, vector<100x50xf32>, vector<50x50xf32> -> vector<50x50xf32>
    %swap3A_970 = arith.constant 53 : index
    %swap3A_971 = arith.constant 0 : index
    %swap3A_972 = arith.constant 44 : index
    %swap3A_973 = vector.load %arg5[%swap3A_970, %swap3A_971, %swap3A_972] : memref<64x50x128xf32, #tpu.memory_space<vmem>>, vector<1x50x50xf32>
    %swap3A_974 = vector.shape_cast %swap3A_973 : vector<1x50x50xf32> to vector<50x50xf32>
    %swap3A_975 = vector.shape_cast %dot_general3A_969 : vector<50x50xf32> to vector<1x50x50xf32>
    tpu.vector_store %arg5[%swap3A_970, %swap3A_971, %swap3A_972], %swap3A_975 {strides = array<i32>} : memref<64x50x128xf32, #tpu.memory_space<vmem>>, vector<1x50x50xf32>,
    %iota3A_976 = tpu.iota {dimensions = array<i32: 1>} : vector<50x100xi32>
    %get3A_977 = arith.constant 54 : index
    %get3A_978 = arith.constant 0 : index
    %get3A_979 = vector.load %arg2[%get3A_977, %get3A_978] : memref<64x50xi32, #tpu.memory_space<vmem>>, vector<1x50xi32>
    %get3A_980 = vector.shape_cast %get3A_979 : vector<1x50xi32> to vector<50xi32>
    %broadcast_in_dim3A_981 = vector.shape_cast %get3A_980 : vector<50xi32> to vector<50x1xi32>
    %eq3A_982 = vector.broadcast %broadcast_in_dim3A_981 : vector<50x1xi32> to vector<50x100xi32>
    %eq3A_983 = arith.cmpi eq, %eq3A_982, %iota3A_976 : vector<50x100xi32>
    %convert_element_type3A_984 = arith.extui %eq3A_983 : vector<50x100xi1> to vector<50x100xi32>
    %convert_element_type3A_985 = arith.sitofp %convert_element_type3A_984 : vector<50x100xi32> to vector<50x100xf32>
    %dot_general3A_986 = arith.constant dense<0.000000e+00> : vector<50x50xf32>
    %dot_general3A_987 = tpu.matmul %convert_element_type3A_985, %get3A_8, %dot_general3A_986 {dimension_numbers = #tpu.dot_dimension_numbers<[1], [0], [0], [1], [0, 0, 1, 1], [], []>, transpose_lhs_hint = false} : vector<50x100xf32>, vector<100x50xf32>, vector<50x50xf32> -> vector<50x50xf32>
    %swap3A_988 = arith.constant 54 : index
    %swap3A_989 = arith.constant 0 : index
    %swap3A_990 = arith.constant 44 : index
    %swap3A_991 = vector.load %arg5[%swap3A_988, %swap3A_989, %swap3A_990] : memref<64x50x128xf32, #tpu.memory_space<vmem>>, vector<1x50x50xf32>
    %swap3A_992 = vector.shape_cast %swap3A_991 : vector<1x50x50xf32> to vector<50x50xf32>
    %swap3A_993 = vector.shape_cast %dot_general3A_987 : vector<50x50xf32> to vector<1x50x50xf32>
    tpu.vector_store %arg5[%swap3A_988, %swap3A_989, %swap3A_990], %swap3A_993 {strides = array<i32>} : memref<64x50x128xf32, #tpu.memory_space<vmem>>, vector<1x50x50xf32>,
    %iota3A_994 = tpu.iota {dimensions = array<i32: 1>} : vector<50x100xi32>
    %get3A_995 = arith.constant 55 : index
    %get3A_996 = arith.constant 0 : index
    %get3A_997 = vector.load %arg2[%get3A_995, %get3A_996] : memref<64x50xi32, #tpu.memory_space<vmem>>, vector<1x50xi32>
    %get3A_998 = vector.shape_cast %get3A_997 : vector<1x50xi32> to vector<50xi32>
    %broadcast_in_dim3A_999 = vector.shape_cast %get3A_998 : vector<50xi32> to vector<50x1xi32>
    %eq3A_1000 = vector.broadcast %broadcast_in_dim3A_999 : vector<50x1xi32> to vector<50x100xi32>
    %eq3A_1001 = arith.cmpi eq, %eq3A_1000, %iota3A_994 : vector<50x100xi32>
    %convert_element_type3A_1002 = arith.extui %eq3A_1001 : vector<50x100xi1> to vector<50x100xi32>
    %convert_element_type3A_1003 = arith.sitofp %convert_element_type3A_1002 : vector<50x100xi32> to vector<50x100xf32>
    %dot_general3A_1004 = arith.constant dense<0.000000e+00> : vector<50x50xf32>
    %dot_general3A_1005 = tpu.matmul %convert_element_type3A_1003, %get3A_8, %dot_general3A_1004 {dimension_numbers = #tpu.dot_dimension_numbers<[1], [0], [0], [1], [0, 0, 1, 1], [], []>, transpose_lhs_hint = false} : vector<50x100xf32>, vector<100x50xf32>, vector<50x50xf32> -> vector<50x50xf32>
    %swap3A_1006 = arith.constant 55 : index
    %swap3A_1007 = arith.constant 0 : index
    %swap3A_1008 = arith.constant 44 : index
    %swap3A_1009 = vector.load %arg5[%swap3A_1006, %swap3A_1007, %swap3A_1008] : memref<64x50x128xf32, #tpu.memory_space<vmem>>, vector<1x50x50xf32>
    %swap3A_1010 = vector.shape_cast %swap3A_1009 : vector<1x50x50xf32> to vector<50x50xf32>
    %swap3A_1011 = vector.shape_cast %dot_general3A_1005 : vector<50x50xf32> to vector<1x50x50xf32>
    tpu.vector_store %arg5[%swap3A_1006, %swap3A_1007, %swap3A_1008], %swap3A_1011 {strides = array<i32>} : memref<64x50x128xf32, #tpu.memory_space<vmem>>, vector<1x50x50xf32>,
    %iota3A_1012 = tpu.iota {dimensions = array<i32: 1>} : vector<50x100xi32>
    %get3A_1013 = arith.constant 56 : index
    %get3A_1014 = arith.constant 0 : index
    %get3A_1015 = vector.load %arg2[%get3A_1013, %get3A_1014] : memref<64x50xi32, #tpu.memory_space<vmem>>, vector<1x50xi32>
    %get3A_1016 = vector.shape_cast %get3A_1015 : vector<1x50xi32> to vector<50xi32>
    %broadcast_in_dim3A_1017 = vector.shape_cast %get3A_1016 : vector<50xi32> to vector<50x1xi32>
    %eq3A_1018 = vector.broadcast %broadcast_in_dim3A_1017 : vector<50x1xi32> to vector<50x100xi32>
    %eq3A_1019 = arith.cmpi eq, %eq3A_1018, %iota3A_1012 : vector<50x100xi32>
    %convert_element_type3A_1020 = arith.extui %eq3A_1019 : vector<50x100xi1> to vector<50x100xi32>
    %convert_element_type3A_1021 = arith.sitofp %convert_element_type3A_1020 : vector<50x100xi32> to vector<50x100xf32>
    %dot_general3A_1022 = arith.constant dense<0.000000e+00> : vector<50x50xf32>
    %dot_general3A_1023 = tpu.matmul %convert_element_type3A_1021, %get3A_8, %dot_general3A_1022 {dimension_numbers = #tpu.dot_dimension_numbers<[1], [0], [0], [1], [0, 0, 1, 1], [], []>, transpose_lhs_hint = false} : vector<50x100xf32>, vector<100x50xf32>, vector<50x50xf32> -> vector<50x50xf32>
    %swap3A_1024 = arith.constant 56 : index
    %swap3A_1025 = arith.constant 0 : index
    %swap3A_1026 = arith.constant 44 : index
    %swap3A_1027 = vector.load %arg5[%swap3A_1024, %swap3A_1025, %swap3A_1026] : memref<64x50x128xf32, #tpu.memory_space<vmem>>, vector<1x50x50xf32>
    %swap3A_1028 = vector.shape_cast %swap3A_1027 : vector<1x50x50xf32> to vector<50x50xf32>
    %swap3A_1029 = vector.shape_cast %dot_general3A_1023 : vector<50x50xf32> to vector<1x50x50xf32>
    tpu.vector_store %arg5[%swap3A_1024, %swap3A_1025, %swap3A_1026], %swap3A_1029 {strides = array<i32>} : memref<64x50x128xf32, #tpu.memory_space<vmem>>, vector<1x50x50xf32>,
    %iota3A_1030 = tpu.iota {dimensions = array<i32: 1>} : vector<50x100xi32>
    %get3A_1031 = arith.constant 57 : index
    %get3A_1032 = arith.constant 0 : index
    %get3A_1033 = vector.load %arg2[%get3A_1031, %get3A_1032] : memref<64x50xi32, #tpu.memory_space<vmem>>, vector<1x50xi32>
    %get3A_1034 = vector.shape_cast %get3A_1033 : vector<1x50xi32> to vector<50xi32>
    %broadcast_in_dim3A_1035 = vector.shape_cast %get3A_1034 : vector<50xi32> to vector<50x1xi32>
    %eq3A_1036 = vector.broadcast %broadcast_in_dim3A_1035 : vector<50x1xi32> to vector<50x100xi32>
    %eq3A_1037 = arith.cmpi eq, %eq3A_1036, %iota3A_1030 : vector<50x100xi32>
    %convert_element_type3A_1038 = arith.extui %eq3A_1037 : vector<50x100xi1> to vector<50x100xi32>
    %convert_element_type3A_1039 = arith.sitofp %convert_element_type3A_1038 : vector<50x100xi32> to vector<50x100xf32>
    %dot_general3A_1040 = arith.constant dense<0.000000e+00> : vector<50x50xf32>
    %dot_general3A_1041 = tpu.matmul %convert_element_type3A_1039, %get3A_8, %dot_general3A_1040 {dimension_numbers = #tpu.dot_dimension_numbers<[1], [0], [0], [1], [0, 0, 1, 1], [], []>, transpose_lhs_hint = false} : vector<50x100xf32>, vector<100x50xf32>, vector<50x50xf32> -> vector<50x50xf32>
    %swap3A_1042 = arith.constant 57 : index
    %swap3A_1043 = arith.constant 0 : index
    %swap3A_1044 = arith.constant 44 : index
    %swap3A_1045 = vector.load %arg5[%swap3A_1042, %swap3A_1043, %swap3A_1044] : memref<64x50x128xf32, #tpu.memory_space<vmem>>, vector<1x50x50xf32>
    %swap3A_1046 = vector.shape_cast %swap3A_1045 : vector<1x50x50xf32> to vector<50x50xf32>
    %swap3A_1047 = vector.shape_cast %dot_general3A_1041 : vector<50x50xf32> to vector<1x50x50xf32>
    tpu.vector_store %arg5[%swap3A_1042, %swap3A_1043, %swap3A_1044], %swap3A_1047 {strides = array<i32>} : memref<64x50x128xf32, #tpu.memory_space<vmem>>, vector<1x50x50xf32>,
    %iota3A_1048 = tpu.iota {dimensions = array<i32: 1>} : vector<50x100xi32>
    %get3A_1049 = arith.constant 58 : index
    %get3A_1050 = arith.constant 0 : index
    %get3A_1051 = vector.load %arg2[%get3A_1049, %get3A_1050] : memref<64x50xi32, #tpu.memory_space<vmem>>, vector<1x50xi32>
    %get3A_1052 = vector.shape_cast %get3A_1051 : vector<1x50xi32> to vector<50xi32>
    %broadcast_in_dim3A_1053 = vector.shape_cast %get3A_1052 : vector<50xi32> to vector<50x1xi32>
    %eq3A_1054 = vector.broadcast %broadcast_in_dim3A_1053 : vector<50x1xi32> to vector<50x100xi32>
    %eq3A_1055 = arith.cmpi eq, %eq3A_1054, %iota3A_1048 : vector<50x100xi32>
    %convert_element_type3A_1056 = arith.extui %eq3A_1055 : vector<50x100xi1> to vector<50x100xi32>
    %convert_element_type3A_1057 = arith.sitofp %convert_element_type3A_1056 : vector<50x100xi32> to vector<50x100xf32>
    %dot_general3A_1058 = arith.constant dense<0.000000e+00> : vector<50x50xf32>
    %dot_general3A_1059 = tpu.matmul %convert_element_type3A_1057, %get3A_8, %dot_general3A_1058 {dimension_numbers = #tpu.dot_dimension_numbers<[1], [0], [0], [1], [0, 0, 1, 1], [], []>, transpose_lhs_hint = false} : vector<50x100xf32>, vector<100x50xf32>, vector<50x50xf32> -> vector<50x50xf32>
    %swap3A_1060 = arith.constant 58 : index
    %swap3A_1061 = arith.constant 0 : index
    %swap3A_1062 = arith.constant 44 : index
    %swap3A_1063 = vector.load %arg5[%swap3A_1060, %swap3A_1061, %swap3A_1062] : memref<64x50x128xf32, #tpu.memory_space<vmem>>, vector<1x50x50xf32>
    %swap3A_1064 = vector.shape_cast %swap3A_1063 : vector<1x50x50xf32> to vector<50x50xf32>
    %swap3A_1065 = vector.shape_cast %dot_general3A_1059 : vector<50x50xf32> to vector<1x50x50xf32>
    tpu.vector_store %arg5[%swap3A_1060, %swap3A_1061, %swap3A_1062], %swap3A_1065 {strides = array<i32>} : memref<64x50x128xf32, #tpu.memory_space<vmem>>, vector<1x50x50xf32>,
    %iota3A_1066 = tpu.iota {dimensions = array<i32: 1>} : vector<50x100xi32>
    %get3A_1067 = arith.constant 59 : index
    %get3A_1068 = arith.constant 0 : index
    %get3A_1069 = vector.load %arg2[%get3A_1067, %get3A_1068] : memref<64x50xi32, #tpu.memory_space<vmem>>, vector<1x50xi32>
    %get3A_1070 = vector.shape_cast %get3A_1069 : vector<1x50xi32> to vector<50xi32>
    %broadcast_in_dim3A_1071 = vector.shape_cast %get3A_1070 : vector<50xi32> to vector<50x1xi32>
    %eq3A_1072 = vector.broadcast %broadcast_in_dim3A_1071 : vector<50x1xi32> to vector<50x100xi32>
    %eq3A_1073 = arith.cmpi eq, %eq3A_1072, %iota3A_1066 : vector<50x100xi32>
    %convert_element_type3A_1074 = arith.extui %eq3A_1073 : vector<50x100xi1> to vector<50x100xi32>
    %convert_element_type3A_1075 = arith.sitofp %convert_element_type3A_1074 : vector<50x100xi32> to vector<50x100xf32>
    %dot_general3A_1076 = arith.constant dense<0.000000e+00> : vector<50x50xf32>
    %dot_general3A_1077 = tpu.matmul %convert_element_type3A_1075, %get3A_8, %dot_general3A_1076 {dimension_numbers = #tpu.dot_dimension_numbers<[1], [0], [0], [1], [0, 0, 1, 1], [], []>, transpose_lhs_hint = false} : vector<50x100xf32>, vector<100x50xf32>, vector<50x50xf32> -> vector<50x50xf32>
    %swap3A_1078 = arith.constant 59 : index
    %swap3A_1079 = arith.constant 0 : index
    %swap3A_1080 = arith.constant 44 : index
    %swap3A_1081 = vector.load %arg5[%swap3A_1078, %swap3A_1079, %swap3A_1080] : memref<64x50x128xf32, #tpu.memory_space<vmem>>, vector<1x50x50xf32>
    %swap3A_1082 = vector.shape_cast %swap3A_1081 : vector<1x50x50xf32> to vector<50x50xf32>
    %swap3A_1083 = vector.shape_cast %dot_general3A_1077 : vector<50x50xf32> to vector<1x50x50xf32>
    tpu.vector_store %arg5[%swap3A_1078, %swap3A_1079, %swap3A_1080], %swap3A_1083 {strides = array<i32>} : memref<64x50x128xf32, #tpu.memory_space<vmem>>, vector<1x50x50xf32>,
    %iota3A_1084 = tpu.iota {dimensions = array<i32: 1>} : vector<50x100xi32>
    %get3A_1085 = arith.constant 60 : index
    %get3A_1086 = arith.constant 0 : index
    %get3A_1087 = vector.load %arg2[%get3A_1085, %get3A_1086] : memref<64x50xi32, #tpu.memory_space<vmem>>, vector<1x50xi32>
    %get3A_1088 = vector.shape_cast %get3A_1087 : vector<1x50xi32> to vector<50xi32>
    %broadcast_in_dim3A_1089 = vector.shape_cast %get3A_1088 : vector<50xi32> to vector<50x1xi32>
    %eq3A_1090 = vector.broadcast %broadcast_in_dim3A_1089 : vector<50x1xi32> to vector<50x100xi32>
    %eq3A_1091 = arith.cmpi eq, %eq3A_1090, %iota3A_1084 : vector<50x100xi32>
    %convert_element_type3A_1092 = arith.extui %eq3A_1091 : vector<50x100xi1> to vector<50x100xi32>
    %convert_element_type3A_1093 = arith.sitofp %convert_element_type3A_1092 : vector<50x100xi32> to vector<50x100xf32>
    %dot_general3A_1094 = arith.constant dense<0.000000e+00> : vector<50x50xf32>
    %dot_general3A_1095 = tpu.matmul %convert_element_type3A_1093, %get3A_8, %dot_general3A_1094 {dimension_numbers = #tpu.dot_dimension_numbers<[1], [0], [0], [1], [0, 0, 1, 1], [], []>, transpose_lhs_hint = false} : vector<50x100xf32>, vector<100x50xf32>, vector<50x50xf32> -> vector<50x50xf32>
    %swap3A_1096 = arith.constant 60 : index
    %swap3A_1097 = arith.constant 0 : index
    %swap3A_1098 = arith.constant 44 : index
    %swap3A_1099 = vector.load %arg5[%swap3A_1096, %swap3A_1097, %swap3A_1098] : memref<64x50x128xf32, #tpu.memory_space<vmem>>, vector<1x50x50xf32>
    %swap3A_1100 = vector.shape_cast %swap3A_1099 : vector<1x50x50xf32> to vector<50x50xf32>
    %swap3A_1101 = vector.shape_cast %dot_general3A_1095 : vector<50x50xf32> to vector<1x50x50xf32>
    tpu.vector_store %arg5[%swap3A_1096, %swap3A_1097, %swap3A_1098], %swap3A_1101 {strides = array<i32>} : memref<64x50x128xf32, #tpu.memory_space<vmem>>, vector<1x50x50xf32>,
    %iota3A_1102 = tpu.iota {dimensions = array<i32: 1>} : vector<50x100xi32>
    %get3A_1103 = arith.constant 61 : index
    %get3A_1104 = arith.constant 0 : index
    %get3A_1105 = vector.load %arg2[%get3A_1103, %get3A_1104] : memref<64x50xi32, #tpu.memory_space<vmem>>, vector<1x50xi32>
    %get3A_1106 = vector.shape_cast %get3A_1105 : vector<1x50xi32> to vector<50xi32>
    %broadcast_in_dim3A_1107 = vector.shape_cast %get3A_1106 : vector<50xi32> to vector<50x1xi32>
    %eq3A_1108 = vector.broadcast %broadcast_in_dim3A_1107 : vector<50x1xi32> to vector<50x100xi32>
    %eq3A_1109 = arith.cmpi eq, %eq3A_1108, %iota3A_1102 : vector<50x100xi32>
    %convert_element_type3A_1110 = arith.extui %eq3A_1109 : vector<50x100xi1> to vector<50x100xi32>
    %convert_element_type3A_1111 = arith.sitofp %convert_element_type3A_1110 : vector<50x100xi32> to vector<50x100xf32>
    %dot_general3A_1112 = arith.constant dense<0.000000e+00> : vector<50x50xf32>
    %dot_general3A_1113 = tpu.matmul %convert_element_type3A_1111, %get3A_8, %dot_general3A_1112 {dimension_numbers = #tpu.dot_dimension_numbers<[1], [0], [0], [1], [0, 0, 1, 1], [], []>, transpose_lhs_hint = false} : vector<50x100xf32>, vector<100x50xf32>, vector<50x50xf32> -> vector<50x50xf32>
    %swap3A_1114 = arith.constant 61 : index
    %swap3A_1115 = arith.constant 0 : index
    %swap3A_1116 = arith.constant 44 : index
    %swap3A_1117 = vector.load %arg5[%swap3A_1114, %swap3A_1115, %swap3A_1116] : memref<64x50x128xf32, #tpu.memory_space<vmem>>, vector<1x50x50xf32>
    %swap3A_1118 = vector.shape_cast %swap3A_1117 : vector<1x50x50xf32> to vector<50x50xf32>
    %swap3A_1119 = vector.shape_cast %dot_general3A_1113 : vector<50x50xf32> to vector<1x50x50xf32>
    tpu.vector_store %arg5[%swap3A_1114, %swap3A_1115, %swap3A_1116], %swap3A_1119 {strides = array<i32>} : memref<64x50x128xf32, #tpu.memory_space<vmem>>, vector<1x50x50xf32>,
    %iota3A_1120 = tpu.iota {dimensions = array<i32: 1>} : vector<50x100xi32>
    %get3A_1121 = arith.constant 62 : index
    %get3A_1122 = arith.constant 0 : index
    %get3A_1123 = vector.load %arg2[%get3A_1121, %get3A_1122] : memref<64x50xi32, #tpu.memory_space<vmem>>, vector<1x50xi32>
    %get3A_1124 = vector.shape_cast %get3A_1123 : vector<1x50xi32> to vector<50xi32>
    %broadcast_in_dim3A_1125 = vector.shape_cast %get3A_1124 : vector<50xi32> to vector<50x1xi32>
    %eq3A_1126 = vector.broadcast %broadcast_in_dim3A_1125 : vector<50x1xi32> to vector<50x100xi32>
    %eq3A_1127 = arith.cmpi eq, %eq3A_1126, %iota3A_1120 : vector<50x100xi32>
    %convert_element_type3A_1128 = arith.extui %eq3A_1127 : vector<50x100xi1> to vector<50x100xi32>
    %convert_element_type3A_1129 = arith.sitofp %convert_element_type3A_1128 : vector<50x100xi32> to vector<50x100xf32>
    %dot_general3A_1130 = arith.constant dense<0.000000e+00> : vector<50x50xf32>
    %dot_general3A_1131 = tpu.matmul %convert_element_type3A_1129, %get3A_8, %dot_general3A_1130 {dimension_numbers = #tpu.dot_dimension_numbers<[1], [0], [0], [1], [0, 0, 1, 1], [], []>, transpose_lhs_hint = false} : vector<50x100xf32>, vector<100x50xf32>, vector<50x50xf32> -> vector<50x50xf32>
    %swap3A_1132 = arith.constant 62 : index
    %swap3A_1133 = arith.constant 0 : index
    %swap3A_1134 = arith.constant 44 : index
    %swap3A_1135 = vector.load %arg5[%swap3A_1132, %swap3A_1133, %swap3A_1134] : memref<64x50x128xf32, #tpu.memory_space<vmem>>, vector<1x50x50xf32>
    %swap3A_1136 = vector.shape_cast %swap3A_1135 : vector<1x50x50xf32> to vector<50x50xf32>
    %swap3A_1137 = vector.shape_cast %dot_general3A_1131 : vector<50x50xf32> to vector<1x50x50xf32>
    tpu.vector_store %arg5[%swap3A_1132, %swap3A_1133, %swap3A_1134], %swap3A_1137 {strides = array<i32>} : memref<64x50x128xf32, #tpu.memory_space<vmem>>, vector<1x50x50xf32>,
    %iota3A_1138 = tpu.iota {dimensions = array<i32: 1>} : vector<50x100xi32>
    %get3A_1139 = arith.constant 63 : index
    %get3A_1140 = arith.constant 0 : index
    %get3A_1141 = vector.load %arg2[%get3A_1139, %get3A_1140] : memref<64x50xi32, #tpu.memory_space<vmem>>, vector<1x50xi32>
    %get3A_1142 = vector.shape_cast %get3A_1141 : vector<1x50xi32> to vector<50xi32>
    %broadcast_in_dim3A_1143 = vector.shape_cast %get3A_1142 : vector<50xi32> to vector<50x1xi32>
    %eq3A_1144 = vector.broadcast %broadcast_in_dim3A_1143 : vector<50x1xi32> to vector<50x100xi32>
    %eq3A_1145 = arith.cmpi eq, %eq3A_1144, %iota3A_1138 : vector<50x100xi32>
    %convert_element_type3A_1146 = arith.extui %eq3A_1145 : vector<50x100xi1> to vector<50x100xi32>
    %convert_element_type3A_1147 = arith.sitofp %convert_element_type3A_1146 : vector<50x100xi32> to vector<50x100xf32>
    %dot_general3A_1148 = arith.constant dense<0.000000e+00> : vector<50x50xf32>
    %dot_general3A_1149 = tpu.matmul %convert_element_type3A_1147, %get3A_8, %dot_general3A_1148 {dimension_numbers = #tpu.dot_dimension_numbers<[1], [0], [0], [1], [0, 0, 1, 1], [], []>, transpose_lhs_hint = false} : vector<50x100xf32>, vector<100x50xf32>, vector<50x50xf32> -> vector<50x50xf32>
    %swap3A_1150 = arith.constant 63 : index
    %swap3A_1151 = arith.constant 0 : index
    %swap3A_1152 = arith.constant 44 : index
    %swap3A_1153 = vector.load %arg5[%swap3A_1150, %swap3A_1151, %swap3A_1152] : memref<64x50x128xf32, #tpu.memory_space<vmem>>, vector<1x50x50xf32>
    %swap3A_1154 = vector.shape_cast %swap3A_1153 : vector<1x50x50xf32> to vector<50x50xf32>
    %swap3A_1155 = vector.shape_cast %dot_general3A_1149 : vector<50x50xf32> to vector<1x50x50xf32>
    tpu.vector_store %arg5[%swap3A_1150, %swap3A_1151, %swap3A_1152], %swap3A_1155 {strides = array<i32>} : memref<64x50x128xf32, #tpu.memory_space<vmem>>, vector<1x50x50xf32>,
    return
  }
  func.func @transform_0(%arg0: i32) -> (i32, i32, i32) {
    %c0_i32 = arith.constant 0 : i32
    %c2_i32 = arith.constant 2 : i32
    %c0_i32_0 = arith.constant 0 : i32
    return %arg0, %c0_i32, %c2_i32 : i32, i32, i32
  }
  func.func @transform_1(%arg0: i32) -> (i32, i32) {
    %c0_i32 = arith.constant 0 : i32
    %c0_i32_0 = arith.constant 0 : i32
    return %arg0, %c0_i32 : i32, i32
  }
  func.func @transform_2(%arg0: i32) -> (i32, i32) {
    %c0_i32 = arith.constant 0 : i32
    %c0_i32_0 = arith.constant 0 : i32
    %c0_i32_1 = arith.constant 0 : i32
    return %c0_i32, %c0_i32_0 : i32, i32
  }
  func.func @transform_4(%arg0: i32) -> (i32, i32, i32) {
    %c0_i32 = arith.constant 0 : i32
    %c2_i32 = arith.constant 2 : i32
    %c0_i32_0 = arith.constant 0 : i32
    return %arg0, %c0_i32, %c2_i32 : i32, i32, i32
  }
}

</mosaic_0001>

<sc_bundles>
// kernel: kernel.4.cloned.1.call-start
scs
__scs_entry_jumppad:
0x0: {  	(pc) =	sbr.rel $0x88, $3  }
0x1: {  	(tag) =	ssettag $0x0;
	lr =	simm.s32 $0x1  }
0x2: {  	[smem:$0x3F9E] =	sst lr;
	_ =	strace $0xD0000000  }
0x3: {  	_ = 	snop  }
0x4: {  	_ = 	snop  }
0x5: {  	_ = 	snop  }
0x6: {  	_ = 	snop  }
0x7: {  	_ = 	snop  }
__scs_overlays_trampoline_lowered:
0x8: {  	[smem:$0x3FAD] =	sst s0  }
0x9: {  	[smem:$0x3FAE] =	sst s1  }
0xa: {  	[smem:$0x3FAF] =	sst s2  }
0xb: {  	[smem:$0x3FB0] =	sst s3  }
0xc: {  	[smem:$0x3FB1] =	sst s4  }
0xd: {  	[smem:$0x3FB2] =	sst s5  }
0xe: {  	[smem:$0x3FB3] =	sst s6  }
0xf: {  	[smem:$0x3FB4] =	sst s7  }
0x10: {  	[smem:$0x3FB5] =	sst s8  }
0x11: {  	[smem:$0x3FB6] =	sst s9;
	s0 =	simm.s32 @!p0 $0x0  }
0x12: {  	s1 =	sld [smem:$0x3F9C];
	s0 =	simm.s32 @p0 $0x1  }
0x13: {  	[smem:$0x3FB7] =	sst s0;
	s0 =	simm.s32 @!p1 $0x0  }
0x14: {  	s2 =	sld [smem:$0x3F9B];
	s0 =	simm.s32 @p1 $0x1  }
0x15: {  	[smem:$0x3FB8] =	sst s0;
	s0 =	simm.s32 @!p2 $0x0  }
0x16: {  	s3 =	sld [smem:$0x3FDB];
	s0 =	simm.s32 @p2 $0x1  }
0x17: {  	s4 =	simm.s32 $0x1BF5;
	[smem:$0x3FBA] =	sst s0  }
0x18: {  	s0 =	sld [smem:$0x3F9D];
	_ =	swait.ge [sflag:s4], $0x0  }
0x19: {  	s7 =	sld [smem:$0x3F9E]  }
0x1a: {  	s8 =	sadd.s32 $0xFFFFE003, lr  }
0x1b: {  	s9 =	sadd.s32 $0xFFFFFEF7, lr;
	s5 =	simm.s32 $0xFFFFFFFF;
	p2 =	slt.u32 s8, $0xFFFFF086  }
0x1c: {  	p1 =	slt.u32 s9, $0xF7A;
	s5 =	simm.s32 @!p2 $0x0  }
0x1d: {  	s5 =	simm.s32 @p1 $0x1;
	p0 =	seq.s32 s7, s2  }
0x1e: {  	s7 =	smul.u32 @!p0 $0xF7A, s2;
	p2 =	seq.s32 @!p0 s5, $0x0  }
0x1f: {  	s9 =	smul.u32 $0xF7A, s1;
	s8 =	simm.s32 @!p0 $0x1BF5;
	p2 =	por !p2, p0  }
0x20: {  	[sflag:s8] =	ssyncset.s32 @!p0 $0xFFFFF086;
	s6 =	sadd.s32 @!p0 s3, s7;
	s7 =	simm.s32 @!p0 $0x108  }
0x21: {  	s3 =	sadd.s32 s3, s9;
	s6 =	sadd.s32 @!p0 $0x88, s6;
	s7 =	simm.s32 @p2 $0x1082  }
0x22: {  	[simem:s7], [sflag:s8] =	dma.local @!p0 [hbm:s6], $0xF7A  }
0x23: {  	s9 =	sor.u32 $0xD0000000, s2;
	s6 =	simm.s32 $0x108;
	_ =	swait.ge @!p0 [sflag:s8], $0x0  }
0x24: {  	s3 =	sadd.s32 $0x88, s3;
	s6 =	simm.s32 @!p1 $0x1082;
	[sflag:s4] =	ssyncset.s32 $0xFFFFF086  }
0x25: {  	[simem:s6], [sflag:s4] =	dma.local [hbm:s3], $0xF7A  }
0x26: {  	[smem:$0x3F9E] =	sst s1;
	(tag) =	ssettag s2;
	_ =	strace s9  }
0x27: {  	s1 =	sld [smem:$0x3FAE]  }
0x28: {  	s2 =	sld [smem:$0x3FAF]  }
0x29: {  	s4 =	sld [smem:$0x3FB1]  }
0x2a: {  	p0 =	seq.s32 s5, $0x0;
	s5 =	sld [smem:$0x3FB2]  }
0x2b: {  	s6 =	sld [smem:$0x3FB3]  }
0x2c: {  	s7 =	sld [smem:$0x3FB4]  }
0x2d: {  	s3 =	simm.s32 $0x108;
	s8 =	sld [smem:$0x3FB5]  }
0x2e: {  	s3 =	simm.s32 @!p0 $0x1082;
	s9 =	sld [smem:$0x3FB6]  }
0x2f: {  	lr =	sadd.s32 s0, s3;
	s0 =	sld [smem:$0x3FAD]  }
0x30: {  	s3 =	sld [smem:$0x3FB0]  }
0x31: {  	[smem:$0x3FB9] =	sst s10  }
0x32: {  	s10 =	sld [smem:$0x3FB7];
	_ =	sdelay $0x3  }
0x33: {  	p0 =	seq.s32 s10, $0x1;
	s10 =	sld [smem:$0x3FB9];
	_ =	sdelay $0x3  }
0x34: {  	[smem:$0x3FB9] =	sst s10  }
0x35: {  	s10 =	sld [smem:$0x3FB8];
	_ =	sdelay $0x3  }
0x36: {  	p1 =	seq.s32 s10, $0x1;
	s10 =	sld [smem:$0x3FB9];
	_ =	sdelay $0x3  }
0x37: {  	[smem:$0x3FB9] =	sst s10  }
0x38: {  	s10 =	sld [smem:$0x3FBA]  }
0x39: {  	_ = 	snop;
	(pc) =	sbr.ind lr, $3  }
0x3a: {  	_ = 	snop  }
0x3b: {  	_ = 	snop  }
0x3c: {  	p2 =	seq.s32 s10, $0x1;
	s10 =	sld [smem:$0x3FB9]  }
0x3d: {  	_ =	shalt  }
0x3e: {  	_ =	shalt  }
0x3f: {  	_ =	shalt  }
0x40: {  	_ =	shalt  }
0x41: {  	_ =	shalt  }
0x42: {  	_ =	shalt  }
0x43: {  	_ =	shalt  }
0x44: {  	_ =	shalt  }
0x45: {  	_ =	shalt  }
0x46: {  	_ =	shalt  }
0x47: {  	_ =	shalt  }
0x48: {  	_ =	shalt  }
0x49: {  	_ =	shalt  }
0x4a: {  	_ =	shalt  }
0x4b: {  	_ =	shalt  }
0x4c: {  	_ =	shalt  }
0x4d: {  	_ =	shalt  }
0x4e: {  	_ =	shalt  }
0x4f: {  	_ =	shalt  }
0x50: {  	_ =	shalt  }
0x51: {  	_ =	shalt  }
0x52: {  	_ =	shalt  }
0x53: {  	_ =	shalt  }
0x54: {  	_ =	shalt  }
0x55: {  	_ =	shalt  }
0x56: {  	_ =	shalt  }
0x57: {  	_ =	shalt  }
0x58: {  	_ =	shalt  }
0x59: {  	_ =	shalt  }
0x5a: {  	_ =	shalt  }
0x5b: {  	_ =	shalt  }
0x5c: {  	_ =	shalt  }
0x5d: {  	_ =	shalt  }
0x5e: {  	_ =	shalt  }
0x5f: {  	_ =	shalt  }
0x60: {  	_ =	shalt  }
0x61: {  	_ =	shalt  }
0x62: {  	_ =	shalt  }
0x63: {  	_ =	shalt  }
0x64: {  	_ =	shalt  }
0x65: {  	_ =	shalt  }
0x66: {  	_ =	shalt  }
0x67: {  	_ =	shalt  }
0x68: {  	_ =	shalt  }
0x69: {  	_ =	shalt  }
0x6a: {  	_ =	shalt  }
0x6b: {  	_ =	shalt  }
0x6c: {  	_ =	shalt  }
0x6d: {  	_ =	shalt  }
0x6e: {  	_ =	shalt  }
0x6f: {  	_ =	shalt  }
0x70: {  	_ =	shalt  }
0x71: {  	_ =	shalt  }
0x72: {  	_ =	shalt  }
0x73: {  	_ =	shalt  }
0x74: {  	_ =	shalt  }
0x75: {  	_ =	shalt  }
0x76: {  	_ =	shalt  }
0x77: {  	_ =	shalt  }
0x78: {  	_ =	shalt  }
0x79: {  	_ =	shalt  }
0x7a: {  	_ =	shalt  }
0x7b: {  	_ =	shalt  }
0x7c: {  	_ =	shalt  }
0x7d: {  	_ =	shalt  }
0x7e: {  	_ =	shalt  }
0x7f: {  	_ =	shalt  }
0x80: {  	_ =	shalt  }
0x81: {  	_ =	shalt  }
0x82: {  	_ =	shalt  }
0x83: {  	_ =	shalt  }
0x84: {  	_ =	shalt  }
0x85: {  	_ =	shalt  }
0x86: {  	_ =	shalt  }
0x87: {  	_ =	shalt  }
.Lfunc_end0:
.L_simem_size_0:
called_computation_lowered:
.L_overlay_start_0:
0x88: {  	s2 =	sld [smem:$0x3FD9]  }
0x89: {  	s3 =	sld [smem:$0x3FFE];
	_ =	sdelay $0x1  }
0x8a: {  	s1 =	srdreg.scid  }
0x8b: {  	s0 =	sand.u32 $0x1, s1  }
0x8c: {  	s16 =	sshll.u32 s0, $0xA;
	s2 =	sadd.s32 s3, s2  }
0x8d: {  	s2 =	sadd.s32 s2, s16  }
0x8e: {  	[smem:$0x3FC5] =	sst s2  }
0x8f: {  	_ = 	snop  }
0x90: {  	(tm) =	ssettm $0x1  }
0x91: {  	s17 =	sld [smem:$0x3FFB];
	_ =	sdelay $0x3  }
0x92: {  	_ =	strace s17  }
0x93: {  	s2 =	sld [smem:$0x3FFC];
	_ =	sdelay $0x3  }
0x94: {  	_ =	strace s2  }
0x95: {  	s2 =	sld [smem:$0x3FFD];
	_ =	sdelay $0x3  }
0x96: {  	_ =	strace s2  }
0x97: {  	_ =	strace $0x8FFFFFFF  }
0x98: {  	s18 =	sld [smem:$0x3FDB];
	_ =	sdelay $0x1  }
0x99: {  	s19 =	simm.s32 $_scs_section_size  }
0x9a: {  	s4 =	simm.s32 $_size__tile_overlayer_lowered;
	s5 =	simm.s32 $_tile_overlayer_lowered  }
0x9b: {  	s22 =	simm.s32 $0x1BFF;
	s21 =	sshll.u32 s5, $0x1;
	s2 =	sadd.s32 s19, s18  }
0x9c: {  	s6 =	simm.s32 $0x0;
	s20 =	sshll.u32 s4, $0x1;
	s4 =	sadd.s32 s21, s2  }
0x9d: {  	[timem:s6], [sflag:s22] =	dma.local [hbm:s4], s20  }
0x9e: {  	_ =	swait.ge [sflag:s22], s20  }
0x9f: {  	s3 =	ssub.s32 $0x0, s20;
	[sflag:s22] =	ssyncset.done $0x0  }
0xa0: {  	[sflag:s22] =	ssyncadd.s32 s3;
	_ =	sdelay $0x1  }
0xa1: {  	s23 =	simm.s32 $0x1B8B  }
0xa2: {  	_ =	swait.ge [sflag:s23], $0x1  }
0xa3: {  	[sflag:s23] =	ssyncset.done $0x0  }
0xa4: {  	s25 =	simm.s32 $0x1B8E;
	s24 =	sld [smem:$0x3FFE];
	[sflag:s23] =	ssyncadd.s32 $0xFFFFFFFF  }
0xa5: {  	s26 =	simm.s32 $execute0_lowered;
	[smem:$0x3FD2] =	sst s25  }
0xa6: {  	s4 =	sshll.u32 s26, $0x1;
	_ =	strace $0x80000046;
	[dreg:$0x1] =	wrdreg $0xFFFFFFFF  }
0xa7: {  	s28 =	simm.s32 $_size_execute0_lowered;
	s2 =	sadd.s32 s2, s4;
	[dreg:$0x0] =	wrdreg $0x0  }
0xa8: {  	s4 =	sshll.u32 s28, $0x1;
	[dreg:$0x2] =	wrdreg s2  }
0xa9: {  	[dreg:$0x3] =	wrdreg s4  }
0xaa: {  	[dreg:$0x4] =	wrdreg $0xC0  }
0xab: {  	_ =	task [dreg:s6], $0x5FFFF  }
0xac: {  	[dreg:$0x1] =	wrdreg $0xFFFFFFFF  }
0xad: {  	[dreg:$0x0] =	wrdreg $0x60  }
0xae: {  	[dreg:$0x2] =	wrdreg s24  }
0xaf: {  	[dreg:$0x3] =	wrdreg $0x9  }
0xb0: {  	_ =	task.clear_ibuf [dreg:s6], $0x4FFFF;
	_ =	strace $0x90000046  }
0xb1: {  	s29 =	simm.s32 $0x9;
	_ =	strace $0x80000048  }
0xb2: {  	_ =	swait.ge [sflag:s29], $0x1  }
0xb3: {  	[sflag:s29] =	ssyncadd.s32 $0xFFFFFFFF  }
0xb4: {  	_ =	strace $0x90000048  }
0xb5: {  	_ =	sfence  }
0xb6: {  	s30 =	sld [smem:$0x0];
	_ =	sdelay $0x2  }
0xb7: {  	s31 =	sshll.u32 s1, $0xD;
	s1 =	sshrl.u32 s1, $0x2  }
0xb8: {  	s3 =	sand.u32 $0x4000, s31;
	s1 =	sadd.s32 s1, s30  }
0xb9: {  	s0 =	sor.u32 s3, s0;
	s1 =	sshll.u32 s1, $0x11  }
0xba: {  	s0 =	sor.u32 s1, s0  }
0xbb: {  	s0 =	sadd.s32 $0x8F2B, s0  }
0xbc: {  	[sflag:s0] =	ssyncadd.remote.s32 $0x1  }
0xbd: {  	_ =	sfence.sel $0xFFFF  }
0xbe: {  	[dreg:$0x0] =	wrdreg $0xFFFFFFFF;
	(pc) =	sbr.abs _section_cstart, $3  }
0xbf: {  	[dreg:$0x1] =	wrdreg $0xFFFFFFFF  }
0xc0: {  	_ =	task.clear_ibuf [dreg:s6], $0x2FFFF;
	_ =	strace $0x9FFFFFFF  }
0xc1: {  	(tm) =	ssettm $0x7FFFFFFF  }
tec
execute0_lowered:
.L_overlay_start_1:
0x0: {  	(tag) =	ssettag $0x1  }
0x1: {  	s0 =	srdreg.scid  }
0x2: {  	s3 =	rddreg [dreg:$0x0];
	s1 =	stileid.u32;
	s2 =	simm.s32 $0x0  }
0x3: {  	s8 =	simm.s32 $0x1;
	s9 =	simm.s32 $0x0;
	s4 =	sand.u32 $0x1, s0  }
0x4: {  	s0 =	rddreg [dreg:$0x1];
	s5 =	smul.u32 $0xA8000, s1;
	s6 =	ssub.s32 $0x2, s4  }
0x5: {  	[smem:$0x7FF] =	sst s2;
	s4 =	smul.u32 $0x54000, s4;
	s7 =	sshrl.u32 s6, $0x1  }
0x6: {  	_ =	strace $0x80000047;
	s5 =	sadd.s32 s5, s3;
	s31 =	ssub.s32 s6, s7  }
0x7: {  	s5 =	sadd.s32 s4, s5;
	s6 =	simm.s32 $0x800;
	s7 =	simm.s32 $0xC00  }
0x8: {  	s3 =	smax.u32 s31, $0x1;
	s4 =	sadd.s32 $0x800, s5;
	s5 =	sadd.s32 $0xA80800, s5  }
.LBB2_1:
0x9: {  	s10 =	sadd.s32 $0x0, s4  }
0xa: {  	[tilespmem:s2], [sflag:$0x1] =	stream.strided.gather [hbm4b:s10+s6], $0xE000, s7, s6, $0x38;
	[tilespmem:$0xE000] =	vst v63  }
0xb: {  	_ =	swait.ge [sflag:s8], $0xE000  }
0xc: {  	[sflag:s8] =	ssyncset.done $0x0  }
0xd: {  	s31 =	sadd.s32 $0x0, s5;
	[sflag:s8] =	ssyncadd.s32 $0xFFFF2000  }
0xe: {  	[hbm4b:s31+s6] =	stream.strided.scatter [tilespmem:s2], [sflag:$0x1], $0xE000, s7, s6, $0x38;
	[tilespmem:$0xE000] =	vst v63  }
0xf: {  	_ =	swait.ge [sflag:s8], $0xE000  }
0x10: {  	s11 =	simm.s32 $0x5400;
	s10 =	simm.s32 $0x2A00;
	[sflag:s8] =	ssyncset.done $0x0  }
.LBB2_2:
0x11: {  	s12 =	sadd.s32 s10, s4  }
0x12: {  	[sflag:s8] =	ssyncadd.s32 $0xFFFF2000;
	s13 =	smov.u32 s11;
	s14 =	sadd.s32 $0x2A00, s11  }
0x13: {  	[tilespmem:s2], [sflag:$0x1] =	stream.strided.gather [hbm4b:s12+s6], $0xE000, s7, s6, $0x38;
	[tilespmem:$0xE000] =	vst v63  }
0x14: {  	p0 =	sne.s32 s11, $0x51600;
	_ =	swait.ge [sflag:s8], $0xE000  }
.Ltmp0:
0x15: {  	[sflag:s8] =	ssyncset.done $0x0;
	(pc) =	sbr.rel @p0 .LBB2_2-.Ltmp0, $4  }
0x16: {  	s11 =	sadd.s32 s10, s5;
	s10 =	smov.u32 s13;
	[sflag:s8] =	ssyncadd.s32 $0xFFFF2000  }
0x17: {  	[hbm4b:s11+s6] =	stream.strided.scatter [tilespmem:s2], [sflag:$0x1], $0xE000, s7, s6, $0x38;
	[tilespmem:$0xE000] =	vst v63  }
0x18: {  	_ =	swait.ge [sflag:s8], $0xE000  }
0x19: {  	s11 =	smov.u32 s14;
	[sflag:s8] =	ssyncset.done $0x0  }
0x1a: {  	s11 =	sadd.s32 s10, s4;
	[sflag:s8] =	ssyncadd.s32 $0xFFFF2000  }
0x1b: {  	[tilespmem:s2], [sflag:$0x1] =	stream.strided.gather [hbm4b:s11+s6], $0xE000, s7, s6, $0x38;
	[tilespmem:$0xE000] =	vst v63  }
0x1c: {  	s9 =	sadd.s32 $0x1, s9;
	_ =	swait.ge [sflag:s8], $0xE000  }
0x1d: {  	p0 =	sne.s32 s9, s3;
	[sflag:s8] =	ssyncset.done $0x0  }
.Ltmp1:
0x1e: {  	s31 =	sadd.s32 s10, s5;
	[sflag:s8] =	ssyncadd.s32 $0xFFFF2000;
	(pc) =	sbr.rel @p0 .LBB2_1-.Ltmp1, $4  }
0x1f: {  	[hbm4b:s31+s6] =	stream.strided.scatter [tilespmem:s2], [sflag:$0x1], $0xE000, s7, s6, $0x38;
	[tilespmem:$0xE000] =	vst v63  }
0x20: {  	_ =	swait.ge [sflag:s8], $0xE000  }
0x21: {  	[sflag:s8] =	ssyncset.done $0x0  }
0x22: {  	[sflag:s8] =	ssyncadd.s32 $0xFFFF2000  }
0x23: {  	_ =	sfence.sel $0x180000  }
0x24: {  	[bflag:$0x0] =	sbarrier.arrive $0xFFFF  }
0x25: {  	p0 =	sne.s32 s1, $0x0;
	_ =	strace $0x90000047  }
0x26: {  	s0 =	sadd.s32 @!p0 $0x100000, s0;
	[bflag:$0x2] =	sbarrier.arrive $0xFFFF  }
0x27: {  	[sflag:s0] =	ssyncadd.tile.s32 @!p0 $0x1;
	_ =	shalt  }
.Lfunc_end2:
_tile_overlayer_lowered:
.L_overlay_start_2:
0x28: {  	(tag) =	ssettag $0x2  }
0x29: {  	s0 =	rddreg [dreg:$0x0];
	s2 =	stileid.u32  }
0x2a: {  	s1 =	rddreg [dreg:$0x1];
	p0 =	sne.s32 s2, $0x0  }
0x2b: {  	s3 =	rddreg [dreg:$0x2];
	[bflag:$0x3] =	sbarrier.arrive $0xFFFF;
	s2 =	simm.s32 @!p0 $0x1C01  }
0x2c: {  	[timem:s3], [sflag:s2] =	dma.local @!p0 [hbm:s0], s1  }
0x2d: {  	s0 =	simm.s32 @!p0 $0x1  }
0x2e: {  	_ =	swait.ge @!p0 [sflag:s0], s1  }
0x2f: {  	s1 =	ssub.s32 @!p0 $0x0, s1;
	[sflag:s0] =	ssyncset.done @!p0 $0x0  }
0x30: {  	[sflag:s0] =	ssyncadd.s32 @!p0 s1  }
0x31: {  	[bflag:$0x3] =	sbarrier.arrive $0xFFFF  }
0x32: {  	_ =	shalt  }

</sc_bundles>
